<compile_context>
chip_gen: v7x
topology: tpu7x:2x2x1
jax: 0.10.2.dev20260603
libtpu: 0.0.44.dev20260713+nightly
codegen_flags: <defaults>
</compile_context>

<pallas_src>
import functools

import jax
import jax.numpy as jnp
from jax import lax
from jax.experimental import pallas as pl
from jax.experimental.pallas import tpu as pltpu
from jax.experimental.pallas import tpu_sc as plsc

Q, S, D, K = 2048, 16384, 1024, 4
QB, SB = 1024, 2048

NC, NS = 2, 16
NW = NC * NS
RPW = Q // NW
CR = 8
NCH = RPW // CR


def _topk_body(q_ref, s_ref, na_ref, nb_ref, idx_ref, dists, idxs):
    si = pl.program_id(0)
    qi = pl.program_id(1)
    q = q_ref[...]
    s = s_ref[...]
    ab = lax.dot_general(q, s, (((1,), (1,)), ((), ())),
                         preferred_element_type=jnp.float32)
    na = na_ref[...]
    nb = nb_ref[...]
    na2 = na ** 2
    nb2 = nb ** 2
    sq = jnp.maximum(na2 + nb2 - 2.0 * ab, 0.0)
    dotprod = (-sq + na2 + nb2) / 2.0
    d = 1.0 - dotprod / (na * nb)

    qslice = pl.ds(qi * QB, QB)

    @pl.when(si == 0)
    def _():
        dists[qslice, :] = jnp.full((QB, K), jnp.inf, jnp.float32)
        idxs[qslice, :] = jnp.zeros((QB, K), jnp.int32)

    pos = lax.broadcasted_iota(jnp.int32, (QB, SB), 1) + si * SB
    comb_d = jnp.concatenate([dists[qslice, :], d], axis=1)
    comb_i = jnp.concatenate([idxs[qslice, :], pos], axis=1)
    new_d, new_i = [], []
    for _ in range(K):
        m = jnp.min(comb_d, axis=1)
        gi = jnp.min(jnp.where(comb_d == m[:, None], comb_i, 2**31 - 1), axis=1)
        new_d.append(m)
        new_i.append(gi)
        comb_d = jnp.where(comb_i == gi[:, None], jnp.inf, comb_d)
    dists[qslice, :] = jnp.concatenate([v[:, None] for v in new_d], axis=1)
    final_i = jnp.concatenate([i[:, None] for i in new_i], axis=1)
    idxs[qslice, :] = final_i
    idx_ref[...] = final_i


def _topk_indices(query_seq, synth_set, na, nb):
    return pl.pallas_call(
        _topk_body,
        grid=(S // SB, Q // QB),
        in_specs=[
            pl.BlockSpec((QB, D), lambda si, qi: (qi, 0)),
            pl.BlockSpec((SB, D), lambda si, qi: (si, 0)),
            pl.BlockSpec((QB, 1), lambda si, qi: (qi, 0)),
            pl.BlockSpec((1, SB), lambda si, qi: (0, si)),
        ],
        out_specs=pl.BlockSpec((QB, K), lambda si, qi: (qi, 0)),
        out_shape=jax.ShapeDtypeStruct((Q, K), jnp.int32),
        scratch_shapes=[
            pltpu.VMEM((Q, K), jnp.float32),
            pltpu.VMEM((Q, K), jnp.int32),
        ],
        compiler_params=pltpu.CompilerParams(
            dimension_semantics=("arbitrary", "arbitrary"),
        ),
    )(query_seq, synth_set, na, nb)


def _gather_mean_body(synth_hbm, idx_hbm, out_hbm,
                      idx_v, rows0, rows1, out_v, sem0, sem1):
    wid = lax.axis_index("s") * NC + lax.axis_index("c")
    rows = (rows0, rows1)
    sems = (sem0, sem1)
    base = wid * RPW
    pltpu.sync_copy(idx_hbm.at[pl.ds(base * K, RPW * K)], idx_v)
    cps = []
    for c in range(NCH):
        cp = pltpu.async_copy(
            synth_hbm.at[idx_v.at[pl.ds(c * CR * K, CR * K)]],
            rows[c % 2], sems[c % 2])
        cps.append(cp)
        if c == 0:
            continue
        cps[c - 1].wait()
        _mean_chunk(rows[(c - 1) % 2], out_v)
        pltpu.sync_copy(out_v, out_hbm.at[pl.ds(base + (c - 1) * CR, CR)])
    cps[NCH - 1].wait()
    _mean_chunk(rows[(NCH - 1) % 2], out_v)
    pltpu.sync_copy(out_v, out_hbm.at[pl.ds(base + (NCH - 1) * CR, CR)])


def _mean_chunk(rows_v, out_v):
    def row_loop(i, carry):
        def col_loop(dd, c2):
            sl = pl.ds(dd * 16, 16)
            acc = (rows_v[K * i, sl] + rows_v[K * i + 1, sl]
                   + rows_v[K * i + 2, sl] + rows_v[K * i + 3, sl])
            out_v[i, sl] = acc * 0.25
            return c2
        return lax.fori_loop(0, D // 16, col_loop, carry)
    lax.fori_loop(0, CR, row_loop, 0)


def _gather_mean(synth_set, flat_idx):
    mesh = plsc.VectorSubcoreMesh(core_axis_name="c", subcore_axis_name="s")
    f = functools.partial(
        pl.kernel,
        out_type=jax.ShapeDtypeStruct((Q, D), jnp.float32),
        mesh=mesh,
        scratch_types=[
            pltpu.VMEM((RPW * K,), jnp.int32),
            pltpu.VMEM((CR * K, D), jnp.float32),
            pltpu.VMEM((CR * K, D), jnp.float32),
            pltpu.VMEM((CR, D), jnp.float32),
            pltpu.SemaphoreType.DMA,
            pltpu.SemaphoreType.DMA,
        ],
    )(_gather_mean_body)
    return f(synth_set, flat_idx)


def kernel(query_seq, synth_set, topk):
    del topk
    na = jnp.linalg.norm(query_seq, ord=2, axis=-1)[:, None]
    nb = jnp.linalg.norm(synth_set, ord=2, axis=-1)[None, :]
    idx = _topk_indices(query_seq, synth_set, na, nb)
    return _gather_mean(synth_set, idx.reshape(Q * K))

# --- scband reference (transcript-rebuilt; emitter-appended) ---
"""Pipeline reference for scband-svcnn-65970697666562 (READ-ONLY COPY).

The authoritative reference and input builder live on the scoring server;
editing this copy changes nothing except your own understanding.
"""

import jax, jax.numpy as jnp
import numpy as np


def fast_cosine_dist(source_feats, matching_pool):
    """Faithful port of the torch fast_cosine_dist: cosine distance via squared
    euclidean cdist + norm algebra."""
    source_norms = jnp.linalg.norm(source_feats, ord=2, axis=-1)
    matching_norms = jnp.linalg.norm(matching_pool, ord=2, axis=-1)
    # torch.cdist(a, b, p=2)**2 == ||a||^2 + ||b||^2 - 2 a.b
    sq_cdist = (
        source_norms[:, None] ** 2
        + matching_norms[None] ** 2
        - 2.0 * (source_feats @ matching_pool.T)
    )
    sq_cdist = jnp.maximum(sq_cdist, 0.0)
    dotprod = -sq_cdist + source_norms[:, None] ** 2 + matching_norms[None] ** 2
    dotprod = dotprod / 2.0
    dists = 1.0 - dotprod / (source_norms[:, None] * matching_norms[None])
    return dists


def setup_inputs(seed: int = 0) -> dict:
    key = jax.random.key(seed)
    k1, k2 = jax.random.split(key)
    # WavLM layer-6 features: dim = 1024 (WavLM-Large)
    # query_seq: ~41 s of source audio at 50 feat/s -> 2048 frames
    # synth_set: matching/synthesis pool of target-speaker features -> 16384 frames
    query_seq = jax.random.normal(k1, (2048, 1024), dtype=jnp.float32)
    synth_set = jax.random.normal(k2, (16384, 1024), dtype=jnp.float32)
    return {"query_seq": query_seq, "synth_set": synth_set, "topk": 4}


def reference(query_seq, synth_set, topk):
    """kNN-regression core of SVCNN.match (target_duration=None, query_mask=None,
    alpha=0 defaults)."""
    alpha = 0.0
    dists = fast_cosine_dist(query_seq, synth_set)
    # dists.topk(k=topk, largest=False) == top_k of negated distances
    _, best_indices = jax.lax.top_k(-dists, 4)
    gathered = jnp.take(synth_set, best_indices, axis=0)  # (N1, topk, dim)
    out_feats = (1.0 - alpha) * gathered.mean(axis=1) + alpha * query_seq
    out_feats = out_feats + (0 * topk)
    return out_feats

if __name__ == "__main__":
    import jax
    _d = setup_inputs()
    print(jax.jit(kernel)(*tuple(_d.values())))

</pallas_src>

<mosaic_0001>
#map = affine_map<(d0, d1) -> (0, 0)>
#map1 = affine_map<(d0, d1) -> (0)>
module attributes {stable_mosaic.version = 14 : i64} {
  func.func @_gather_mean_body(%arg0: i32, %arg1: i32, %arg2: memref<16384x1024xf32, #tpu.memory_space<hbm>>, %arg3: memref<8192xi32, #tpu.memory_space<hbm>>, %arg4: memref<2048x1024xf32, #tpu.memory_space<hbm>>, %arg5: memref<256xi32, #tpu.memory_space<vmem>>, %arg6: memref<32x1024xf32, #tpu.memory_space<vmem>>, %arg7: memref<32x1024xf32, #tpu.memory_space<vmem>>, %arg8: memref<8x1024xf32, #tpu.memory_space<vmem>>, %arg9: memref<!tpu.dma_semaphore, #tpu.memory_space<semaphore_mem>>, %arg10: memref<!tpu.dma_semaphore, #tpu.memory_space<semaphore_mem>>) attributes {dimension_semantics = [#tpu.dimension_semantics<core_parallel>, #tpu.dimension_semantics<subcore_parallel>], iteration_bounds = array<i64: 2, 16>, scalar_prefetch = 0 : i64, scratch_operands = 6 : i64, tpu.core_type = #tpu.core_type<sc_vector_subcore>, window_params = [{transform_indices = #map}, {transform_indices = #map1}, {transform_indices = #map}]} {
    %mul3A = arith.constant 2 : i32
    %mul3A_0 = arith.muli %arg1, %mul3A : i32
    %add3A = arith.addi %mul3A_0, %arg0 : i32
    %mul3A_1 = arith.constant 64 : i32
    %mul3A_2 = arith.muli %add3A, %mul3A_1 : i32
    %mul3A_3 = arith.constant 4 : i32
    %mul3A_4 = arith.muli %mul3A_2, %mul3A_3 : i32
    "tpu.region"() ({
      %run_scoped3A = tpu.sem_alloc : memref<!tpu.dma_semaphore, #tpu.memory_space<semaphore_mem>>
      %dma_start3A_146 = tpu.memref_slice %arg3[%mul3A_4] : memref<8192xi32, #tpu.memory_space<hbm>> -> memref<256xi32, #tpu.memory_space<hbm>>
      %dma_start3A_147 = tpu.memref_slice %arg3[%mul3A_4] : memref<8192xi32, #tpu.memory_space<hbm>> -> memref<256xi32, #tpu.memory_space<hbm>>
      tpu.enqueue_dma source(%dma_start3A_147 : memref<256xi32, #tpu.memory_space<hbm>>) target(%arg5 : memref<256xi32, #tpu.memory_space<vmem>>) target_semaphore(%run_scoped3A : memref<!tpu.dma_semaphore, #tpu.memory_space<semaphore_mem>>)
      %dma_wait3A_148 = tpu.memref_slice %arg3[%mul3A_4] : memref<8192xi32, #tpu.memory_space<hbm>> -> memref<256xi32, #tpu.memory_space<hbm>>
      %dma_wait3A_149 = tpu.memref_slice %arg3[%mul3A_4] : memref<8192xi32, #tpu.memory_space<hbm>> -> memref<256xi32, #tpu.memory_space<hbm>>
      tpu.wait_dma2 semaphore(%run_scoped3A : memref<!tpu.dma_semaphore, #tpu.memory_space<semaphore_mem>>) src(%dma_wait3A_149 : memref<256xi32, #tpu.memory_space<hbm>>) dst(%arg5 : memref<256xi32, #tpu.memory_space<vmem>>)
      tpu.yield
    }) : () -> ()
    %dma_start3A = arith.constant 0 : i32
    %dma_start3A_5 = tpu.memref_slice %arg5[%dma_start3A] : memref<256xi32, #tpu.memory_space<vmem>> -> memref<32xi32, #tpu.memory_space<vmem>>
    %dma_start3A_6 = arith.constant 0 : i32
    %dma_start3A_7 = arith.constant 0 : i32
    %dma_start3A_8 = tpu.memref_slice %arg2[%dma_start3A_6, %dma_start3A_7] : memref<16384x1024xf32, #tpu.memory_space<hbm>> -> memref<16384x1024xf32, #tpu.memory_space<hbm>>
    tpu.enqueue_indirect_dma source(%dma_start3A_8 : memref<16384x1024xf32, #tpu.memory_space<hbm>>) target(%arg6 : memref<32x1024xf32, #tpu.memory_space<vmem>>) offsets(%dma_start3A_5 : memref<32xi32, #tpu.memory_space<vmem>>) semaphore(%arg9 : memref<!tpu.dma_semaphore, #tpu.memory_space<semaphore_mem>>)
    %dma_start3A_9 = arith.constant 32 : i32
    %dma_start3A_10 = tpu.memref_slice %arg5[%dma_start3A_9] : memref<256xi32, #tpu.memory_space<vmem>> -> memref<32xi32, #tpu.memory_space<vmem>>
    %dma_start3A_11 = arith.constant 0 : i32
    %dma_start3A_12 = arith.constant 0 : i32
    %dma_start3A_13 = tpu.memref_slice %arg2[%dma_start3A_11, %dma_start3A_12] : memref<16384x1024xf32, #tpu.memory_space<hbm>> -> memref<16384x1024xf32, #tpu.memory_space<hbm>>
    tpu.enqueue_indirect_dma source(%dma_start3A_13 : memref<16384x1024xf32, #tpu.memory_space<hbm>>) target(%arg7 : memref<32x1024xf32, #tpu.memory_space<vmem>>) offsets(%dma_start3A_10 : memref<32xi32, #tpu.memory_space<vmem>>) semaphore(%arg10 : memref<!tpu.dma_semaphore, #tpu.memory_space<semaphore_mem>>)
    %dma_wait3A = arith.constant 0 : i32
    %dma_wait3A_14 = tpu.memref_slice %arg5[%dma_wait3A] : memref<256xi32, #tpu.memory_space<vmem>> -> memref<32xi32, #tpu.memory_space<vmem>>
    %dma_wait3A_15 = arith.constant 0 : i32
    %dma_wait3A_16 = arith.constant 0 : i32
    %dma_wait3A_17 = tpu.memref_slice %arg2[%dma_wait3A_15, %dma_wait3A_16] : memref<16384x1024xf32, #tpu.memory_space<hbm>> -> memref<16384x1024xf32, #tpu.memory_space<hbm>>
    tpu.wait_indirect_dma semaphore(%arg9 : memref<!tpu.dma_semaphore, #tpu.memory_space<semaphore_mem>>) src(%dma_wait3A_17 : memref<16384x1024xf32, #tpu.memory_space<hbm>>) dst(%arg6 : memref<32x1024xf32, #tpu.memory_space<vmem>>)
    %scan3A = arith.constant 0 : i32
    %scan3A_18 = arith.constant 0 : i32
    %scan3A_19 = arith.constant 8 : i32
    %scan3A_20 = arith.addi %scan3A_18, %scan3A_19 : i32
    %scan3A_21 = arith.constant 1 : i32
    scf.for %scan3A_146 = %scan3A_18 to %scan3A_20 step %scan3A_21  : i32 {
      %scan3A_147 = arith.constant 0 : i32
      %scan3A_148 = arith.constant 64 : i32
      %scan3A_149 = arith.addi %scan3A_147, %scan3A_148 : i32
      %scan3A_150 = arith.constant 1 : i32
      scf.for %scan3A_152 = %scan3A_147 to %scan3A_149 step %scan3A_150  : i32 {
        %mul3A_153 = arith.constant 16 : i32
        %mul3A_154 = arith.muli %scan3A_152, %mul3A_153 : i32
        %mul3A_155 = arith.constant 4 : i32
        %mul3A_156 = arith.muli %mul3A_155, %scan3A_146 : i32
        %get3A = arith.index_cast %mul3A_156 : i32 to index
        %get3A_157 = arith.index_cast %mul3A_154 : i32 to index
        %get3A_158 = tpu.vector_load %arg6[%get3A, %get3A_157] {strides = array<i32>} : memref<32x1024xf32, #tpu.memory_space<vmem>>, vector<1x16xf32>,
        %get3A_159 = vector.shape_cast %get3A_158 : vector<1x16xf32> to vector<16xf32>
        %mul3A_160 = arith.constant 4 : i32
        %mul3A_161 = arith.muli %mul3A_160, %scan3A_146 : i32
        %add3A_162 = arith.constant 1 : i32
        %add3A_163 = arith.addi %mul3A_161, %add3A_162 : i32
        %get3A_164 = arith.index_cast %add3A_163 : i32 to index
        %get3A_165 = arith.index_cast %mul3A_154 : i32 to index
        %get3A_166 = tpu.vector_load %arg6[%get3A_164, %get3A_165] {strides = array<i32>} : memref<32x1024xf32, #tpu.memory_space<vmem>>, vector<1x16xf32>,
        %get3A_167 = vector.shape_cast %get3A_166 : vector<1x16xf32> to vector<16xf32>
        %add3A_168 = arith.addf %get3A_159, %get3A_167 : vector<16xf32>
        %mul3A_169 = arith.constant 4 : i32
        %mul3A_170 = arith.muli %mul3A_169, %scan3A_146 : i32
        %add3A_171 = arith.constant 2 : i32
        %add3A_172 = arith.addi %mul3A_170, %add3A_171 : i32
        %get3A_173 = arith.index_cast %add3A_172 : i32 to index
        %get3A_174 = arith.index_cast %mul3A_154 : i32 to index
        %get3A_175 = tpu.vector_load %arg6[%get3A_173, %get3A_174] {strides = array<i32>} : memref<32x1024xf32, #tpu.memory_space<vmem>>, vector<1x16xf32>,
        %get3A_176 = vector.shape_cast %get3A_175 : vector<1x16xf32> to vector<16xf32>
        %add3A_177 = arith.addf %add3A_168, %get3A_176 : vector<16xf32>
        %mul3A_178 = arith.constant 4 : i32
        %mul3A_179 = arith.muli %mul3A_178, %scan3A_146 : i32
        %add3A_180 = arith.constant 3 : i32
        %add3A_181 = arith.addi %mul3A_179, %add3A_180 : i32
        %get3A_182 = arith.index_cast %add3A_181 : i32 to index
        %get3A_183 = arith.index_cast %mul3A_154 : i32 to index
        %get3A_184 = tpu.vector_load %arg6[%get3A_182, %get3A_183] {strides = array<i32>} : memref<32x1024xf32, #tpu.memory_space<vmem>>, vector<1x16xf32>,
        %get3A_185 = vector.shape_cast %get3A_184 : vector<1x16xf32> to vector<16xf32>
        %add3A_186 = arith.addf %add3A_177, %get3A_185 : vector<16xf32>
        %mul3A_187 = arith.constant 2.500000e-01 : f32
        %mul3A_188 = vector.broadcast %mul3A_187 : f32 to vector<16xf32>
        %mul3A_189 = arith.mulf %add3A_186, %mul3A_188 : vector<16xf32>
        %swap3A = arith.index_cast %scan3A_146 : i32 to index
        %swap3A_190 = arith.index_cast %mul3A_154 : i32 to index
        %swap3A_191 = tpu.vector_load %arg8[%swap3A, %swap3A_190] {strides = array<i32>} : memref<8x1024xf32, #tpu.memory_space<vmem>>, vector<1x16xf32>,
        %swap3A_192 = vector.shape_cast %swap3A_191 : vector<1x16xf32> to vector<16xf32>
        %swap3A_193 = vector.shape_cast %mul3A_189 : vector<16xf32> to vector<1x16xf32>
        tpu.vector_store %arg8[%swap3A, %swap3A_190], %swap3A_193 {strides = array<i32>} : memref<8x1024xf32, #tpu.memory_space<vmem>>, vector<1x16xf32>,
      }
      %scan3A_151 = arith.constant 64 : i32
    }
    %scan3A_22 = arith.constant 8 : i32
    %add3A_23 = arith.constant 0 : i32
    %add3A_24 = arith.addi %mul3A_2, %add3A_23 : i32
    "tpu.region"() ({
      %run_scoped3A = tpu.sem_alloc : memref<!tpu.dma_semaphore, #tpu.memory_space<semaphore_mem>>
      %dma_start3A_146 = arith.constant 0 : i32
      %dma_start3A_147 = tpu.memref_slice %arg4[%add3A_24, %dma_start3A_146] : memref<2048x1024xf32, #tpu.memory_space<hbm>> -> memref<8x1024xf32, #tpu.memory_space<hbm>>
      %dma_start3A_148 = arith.constant 0 : i32
      %dma_start3A_149 = tpu.memref_slice %arg4[%add3A_24, %dma_start3A_148] : memref<2048x1024xf32, #tpu.memory_space<hbm>> -> memref<8x1024xf32, #tpu.memory_space<hbm>>
      tpu.enqueue_dma source(%arg8 : memref<8x1024xf32, #tpu.memory_space<vmem>>) target(%dma_start3A_149 : memref<8x1024xf32, #tpu.memory_space<hbm>>) target_semaphore(%run_scoped3A : memref<!tpu.dma_semaphore, #tpu.memory_space<semaphore_mem>>)
      %dma_wait3A_150 = arith.constant 0 : i32
      %dma_wait3A_151 = tpu.memref_slice %arg4[%add3A_24, %dma_wait3A_150] : memref<2048x1024xf32, #tpu.memory_space<hbm>> -> memref<8x1024xf32, #tpu.memory_space<hbm>>
      %dma_wait3A_152 = arith.constant 0 : i32
      %dma_wait3A_153 = tpu.memref_slice %arg4[%add3A_24, %dma_wait3A_152] : memref<2048x1024xf32, #tpu.memory_space<hbm>> -> memref<8x1024xf32, #tpu.memory_space<hbm>>
      tpu.wait_dma2 semaphore(%run_scoped3A : memref<!tpu.dma_semaphore, #tpu.memory_space<semaphore_mem>>) src(%arg8 : memref<8x1024xf32, #tpu.memory_space<vmem>>) dst(%dma_wait3A_153 : memref<8x1024xf32, #tpu.memory_space<hbm>>)
      tpu.yield
    }) : () -> ()
    %dma_start3A_25 = arith.constant 64 : i32
    %dma_start3A_26 = tpu.memref_slice %arg5[%dma_start3A_25] : memref<256xi32, #tpu.memory_space<vmem>> -> memref<32xi32, #tpu.memory_space<vmem>>
    %dma_start3A_27 = arith.constant 0 : i32
    %dma_start3A_28 = arith.constant 0 : i32
    %dma_start3A_29 = tpu.memref_slice %arg2[%dma_start3A_27, %dma_start3A_28] : memref<16384x1024xf32, #tpu.memory_space<hbm>> -> memref<16384x1024xf32, #tpu.memory_space<hbm>>
    tpu.enqueue_indirect_dma source(%dma_start3A_29 : memref<16384x1024xf32, #tpu.memory_space<hbm>>) target(%arg6 : memref<32x1024xf32, #tpu.memory_space<vmem>>) offsets(%dma_start3A_26 : memref<32xi32, #tpu.memory_space<vmem>>) semaphore(%arg9 : memref<!tpu.dma_semaphore, #tpu.memory_space<semaphore_mem>>)
    %dma_wait3A_30 = arith.constant 32 : i32
    %dma_wait3A_31 = tpu.memref_slice %arg5[%dma_wait3A_30] : memref<256xi32, #tpu.memory_space<vmem>> -> memref<32xi32, #tpu.memory_space<vmem>>
    %dma_wait3A_32 = arith.constant 0 : i32
    %dma_wait3A_33 = arith.constant 0 : i32
    %dma_wait3A_34 = tpu.memref_slice %arg2[%dma_wait3A_32, %dma_wait3A_33] : memref<16384x1024xf32, #tpu.memory_space<hbm>> -> memref<16384x1024xf32, #tpu.memory_space<hbm>>
    tpu.wait_indirect_dma semaphore(%arg10 : memref<!tpu.dma_semaphore, #tpu.memory_space<semaphore_mem>>) src(%dma_wait3A_34 : memref<16384x1024xf32, #tpu.memory_space<hbm>>) dst(%arg7 : memref<32x1024xf32, #tpu.memory_space<vmem>>)
    %scan3A_35 = arith.constant 0 : i32
    %scan3A_36 = arith.constant 0 : i32
    %scan3A_37 = arith.constant 8 : i32
    %scan3A_38 = arith.addi %scan3A_36, %scan3A_37 : i32
    %scan3A_39 = arith.constant 1 : i32
    scf.for %scan3A_146 = %scan3A_36 to %scan3A_38 step %scan3A_39  : i32 {
      %scan3A_147 = arith.constant 0 : i32
      %scan3A_148 = arith.constant 64 : i32
      %scan3A_149 = arith.addi %scan3A_147, %scan3A_148 : i32
      %scan3A_150 = arith.constant 1 : i32
      scf.for %scan3A_152 = %scan3A_147 to %scan3A_149 step %scan3A_150  : i32 {
        %mul3A_153 = arith.constant 16 : i32
        %mul3A_154 = arith.muli %scan3A_152, %mul3A_153 : i32
        %mul3A_155 = arith.constant 4 : i32
        %mul3A_156 = arith.muli %mul3A_155, %scan3A_146 : i32
        %get3A = arith.index_cast %mul3A_156 : i32 to index
        %get3A_157 = arith.index_cast %mul3A_154 : i32 to index
        %get3A_158 = tpu.vector_load %arg7[%get3A, %get3A_157] {strides = array<i32>} : memref<32x1024xf32, #tpu.memory_space<vmem>>, vector<1x16xf32>,
        %get3A_159 = vector.shape_cast %get3A_158 : vector<1x16xf32> to vector<16xf32>
        %mul3A_160 = arith.constant 4 : i32
        %mul3A_161 = arith.muli %mul3A_160, %scan3A_146 : i32
        %add3A_162 = arith.constant 1 : i32
        %add3A_163 = arith.addi %mul3A_161, %add3A_162 : i32
        %get3A_164 = arith.index_cast %add3A_163 : i32 to index
        %get3A_165 = arith.index_cast %mul3A_154 : i32 to index
        %get3A_166 = tpu.vector_load %arg7[%get3A_164, %get3A_165] {strides = array<i32>} : memref<32x1024xf32, #tpu.memory_space<vmem>>, vector<1x16xf32>,
        %get3A_167 = vector.shape_cast %get3A_166 : vector<1x16xf32> to vector<16xf32>
        %add3A_168 = arith.addf %get3A_159, %get3A_167 : vector<16xf32>
        %mul3A_169 = arith.constant 4 : i32
        %mul3A_170 = arith.muli %mul3A_169, %scan3A_146 : i32
        %add3A_171 = arith.constant 2 : i32
        %add3A_172 = arith.addi %mul3A_170, %add3A_171 : i32
        %get3A_173 = arith.index_cast %add3A_172 : i32 to index
        %get3A_174 = arith.index_cast %mul3A_154 : i32 to index
        %get3A_175 = tpu.vector_load %arg7[%get3A_173, %get3A_174] {strides = array<i32>} : memref<32x1024xf32, #tpu.memory_space<vmem>>, vector<1x16xf32>,
        %get3A_176 = vector.shape_cast %get3A_175 : vector<1x16xf32> to vector<16xf32>
        %add3A_177 = arith.addf %add3A_168, %get3A_176 : vector<16xf32>
        %mul3A_178 = arith.constant 4 : i32
        %mul3A_179 = arith.muli %mul3A_178, %scan3A_146 : i32
        %add3A_180 = arith.constant 3 : i32
        %add3A_181 = arith.addi %mul3A_179, %add3A_180 : i32
        %get3A_182 = arith.index_cast %add3A_181 : i32 to index
        %get3A_183 = arith.index_cast %mul3A_154 : i32 to index
        %get3A_184 = tpu.vector_load %arg7[%get3A_182, %get3A_183] {strides = array<i32>} : memref<32x1024xf32, #tpu.memory_space<vmem>>, vector<1x16xf32>,
        %get3A_185 = vector.shape_cast %get3A_184 : vector<1x16xf32> to vector<16xf32>
        %add3A_186 = arith.addf %add3A_177, %get3A_185 : vector<16xf32>
        %mul3A_187 = arith.constant 2.500000e-01 : f32
        %mul3A_188 = vector.broadcast %mul3A_187 : f32 to vector<16xf32>
        %mul3A_189 = arith.mulf %add3A_186, %mul3A_188 : vector<16xf32>
        %swap3A = arith.index_cast %scan3A_146 : i32 to index
        %swap3A_190 = arith.index_cast %mul3A_154 : i32 to index
        %swap3A_191 = tpu.vector_load %arg8[%swap3A, %swap3A_190] {strides = array<i32>} : memref<8x1024xf32, #tpu.memory_space<vmem>>, vector<1x16xf32>,
        %swap3A_192 = vector.shape_cast %swap3A_191 : vector<1x16xf32> to vector<16xf32>
        %swap3A_193 = vector.shape_cast %mul3A_189 : vector<16xf32> to vector<1x16xf32>
        tpu.vector_store %arg8[%swap3A, %swap3A_190], %swap3A_193 {strides = array<i32>} : memref<8x1024xf32, #tpu.memory_space<vmem>>, vector<1x16xf32>,
      }
      %scan3A_151 = arith.constant 64 : i32
    }
    %scan3A_40 = arith.constant 8 : i32
    %add3A_41 = arith.constant 8 : i32
    %add3A_42 = arith.addi %mul3A_2, %add3A_41 : i32
    "tpu.region"() ({
      %run_scoped3A = tpu.sem_alloc : memref<!tpu.dma_semaphore, #tpu.memory_space<semaphore_mem>>
      %dma_start3A_146 = arith.constant 0 : i32
      %dma_start3A_147 = tpu.memref_slice %arg4[%add3A_42, %dma_start3A_146] : memref<2048x1024xf32, #tpu.memory_space<hbm>> -> memref<8x1024xf32, #tpu.memory_space<hbm>>
      %dma_start3A_148 = arith.constant 0 : i32
      %dma_start3A_149 = tpu.memref_slice %arg4[%add3A_42, %dma_start3A_148] : memref<2048x1024xf32, #tpu.memory_space<hbm>> -> memref<8x1024xf32, #tpu.memory_space<hbm>>
      tpu.enqueue_dma source(%arg8 : memref<8x1024xf32, #tpu.memory_space<vmem>>) target(%dma_start3A_149 : memref<8x1024xf32, #tpu.memory_space<hbm>>) target_semaphore(%run_scoped3A : memref<!tpu.dma_semaphore, #tpu.memory_space<semaphore_mem>>)
      %dma_wait3A_150 = arith.constant 0 : i32
      %dma_wait3A_151 = tpu.memref_slice %arg4[%add3A_42, %dma_wait3A_150] : memref<2048x1024xf32, #tpu.memory_space<hbm>> -> memref<8x1024xf32, #tpu.memory_space<hbm>>
      %dma_wait3A_152 = arith.constant 0 : i32
      %dma_wait3A_153 = tpu.memref_slice %arg4[%add3A_42, %dma_wait3A_152] : memref<2048x1024xf32, #tpu.memory_space<hbm>> -> memref<8x1024xf32, #tpu.memory_space<hbm>>
      tpu.wait_dma2 semaphore(%run_scoped3A : memref<!tpu.dma_semaphore, #tpu.memory_space<semaphore_mem>>) src(%arg8 : memref<8x1024xf32, #tpu.memory_space<vmem>>) dst(%dma_wait3A_153 : memref<8x1024xf32, #tpu.memory_space<hbm>>)
      tpu.yield
    }) : () -> ()
    %dma_start3A_43 = arith.constant 96 : i32
    %dma_start3A_44 = tpu.memref_slice %arg5[%dma_start3A_43] : memref<256xi32, #tpu.memory_space<vmem>> -> memref<32xi32, #tpu.memory_space<vmem>>
    %dma_start3A_45 = arith.constant 0 : i32
    %dma_start3A_46 = arith.constant 0 : i32
    %dma_start3A_47 = tpu.memref_slice %arg2[%dma_start3A_45, %dma_start3A_46] : memref<16384x1024xf32, #tpu.memory_space<hbm>> -> memref<16384x1024xf32, #tpu.memory_space<hbm>>
    tpu.enqueue_indirect_dma source(%dma_start3A_47 : memref<16384x1024xf32, #tpu.memory_space<hbm>>) target(%arg7 : memref<32x1024xf32, #tpu.memory_space<vmem>>) offsets(%dma_start3A_44 : memref<32xi32, #tpu.memory_space<vmem>>) semaphore(%arg10 : memref<!tpu.dma_semaphore, #tpu.memory_space<semaphore_mem>>)
    %dma_wait3A_48 = arith.constant 64 : i32
    %dma_wait3A_49 = tpu.memref_slice %arg5[%dma_wait3A_48] : memref<256xi32, #tpu.memory_space<vmem>> -> memref<32xi32, #tpu.memory_space<vmem>>
    %dma_wait3A_50 = arith.constant 0 : i32
    %dma_wait3A_51 = arith.constant 0 : i32
    %dma_wait3A_52 = tpu.memref_slice %arg2[%dma_wait3A_50, %dma_wait3A_51] : memref<16384x1024xf32, #tpu.memory_space<hbm>> -> memref<16384x1024xf32, #tpu.memory_space<hbm>>
    tpu.wait_indirect_dma semaphore(%arg9 : memref<!tpu.dma_semaphore, #tpu.memory_space<semaphore_mem>>) src(%dma_wait3A_52 : memref<16384x1024xf32, #tpu.memory_space<hbm>>) dst(%arg6 : memref<32x1024xf32, #tpu.memory_space<vmem>>)
    %scan3A_53 = arith.constant 0 : i32
    %scan3A_54 = arith.constant 0 : i32
    %scan3A_55 = arith.constant 8 : i32
    %scan3A_56 = arith.addi %scan3A_54, %scan3A_55 : i32
    %scan3A_57 = arith.constant 1 : i32
    scf.for %scan3A_146 = %scan3A_54 to %scan3A_56 step %scan3A_57  : i32 {
      %scan3A_147 = arith.constant 0 : i32
      %scan3A_148 = arith.constant 64 : i32
      %scan3A_149 = arith.addi %scan3A_147, %scan3A_148 : i32
      %scan3A_150 = arith.constant 1 : i32
      scf.for %scan3A_152 = %scan3A_147 to %scan3A_149 step %scan3A_150  : i32 {
        %mul3A_153 = arith.constant 16 : i32
        %mul3A_154 = arith.muli %scan3A_152, %mul3A_153 : i32
        %mul3A_155 = arith.constant 4 : i32
        %mul3A_156 = arith.muli %mul3A_155, %scan3A_146 : i32
        %get3A = arith.index_cast %mul3A_156 : i32 to index
        %get3A_157 = arith.index_cast %mul3A_154 : i32 to index
        %get3A_158 = tpu.vector_load %arg6[%get3A, %get3A_157] {strides = array<i32>} : memref<32x1024xf32, #tpu.memory_space<vmem>>, vector<1x16xf32>,
        %get3A_159 = vector.shape_cast %get3A_158 : vector<1x16xf32> to vector<16xf32>
        %mul3A_160 = arith.constant 4 : i32
        %mul3A_161 = arith.muli %mul3A_160, %scan3A_146 : i32
        %add3A_162 = arith.constant 1 : i32
        %add3A_163 = arith.addi %mul3A_161, %add3A_162 : i32
        %get3A_164 = arith.index_cast %add3A_163 : i32 to index
        %get3A_165 = arith.index_cast %mul3A_154 : i32 to index
        %get3A_166 = tpu.vector_load %arg6[%get3A_164, %get3A_165] {strides = array<i32>} : memref<32x1024xf32, #tpu.memory_space<vmem>>, vector<1x16xf32>,
        %get3A_167 = vector.shape_cast %get3A_166 : vector<1x16xf32> to vector<16xf32>
        %add3A_168 = arith.addf %get3A_159, %get3A_167 : vector<16xf32>
        %mul3A_169 = arith.constant 4 : i32
        %mul3A_170 = arith.muli %mul3A_169, %scan3A_146 : i32
        %add3A_171 = arith.constant 2 : i32
        %add3A_172 = arith.addi %mul3A_170, %add3A_171 : i32
        %get3A_173 = arith.index_cast %add3A_172 : i32 to index
        %get3A_174 = arith.index_cast %mul3A_154 : i32 to index
        %get3A_175 = tpu.vector_load %arg6[%get3A_173, %get3A_174] {strides = array<i32>} : memref<32x1024xf32, #tpu.memory_space<vmem>>, vector<1x16xf32>,
        %get3A_176 = vector.shape_cast %get3A_175 : vector<1x16xf32> to vector<16xf32>
        %add3A_177 = arith.addf %add3A_168, %get3A_176 : vector<16xf32>
        %mul3A_178 = arith.constant 4 : i32
        %mul3A_179 = arith.muli %mul3A_178, %scan3A_146 : i32
        %add3A_180 = arith.constant 3 : i32
        %add3A_181 = arith.addi %mul3A_179, %add3A_180 : i32
        %get3A_182 = arith.index_cast %add3A_181 : i32 to index
        %get3A_183 = arith.index_cast %mul3A_154 : i32 to index
        %get3A_184 = tpu.vector_load %arg6[%get3A_182, %get3A_183] {strides = array<i32>} : memref<32x1024xf32, #tpu.memory_space<vmem>>, vector<1x16xf32>,
        %get3A_185 = vector.shape_cast %get3A_184 : vector<1x16xf32> to vector<16xf32>
        %add3A_186 = arith.addf %add3A_177, %get3A_185 : vector<16xf32>
        %mul3A_187 = arith.constant 2.500000e-01 : f32
        %mul3A_188 = vector.broadcast %mul3A_187 : f32 to vector<16xf32>
        %mul3A_189 = arith.mulf %add3A_186, %mul3A_188 : vector<16xf32>
        %swap3A = arith.index_cast %scan3A_146 : i32 to index
        %swap3A_190 = arith.index_cast %mul3A_154 : i32 to index
        %swap3A_191 = tpu.vector_load %arg8[%swap3A, %swap3A_190] {strides = array<i32>} : memref<8x1024xf32, #tpu.memory_space<vmem>>, vector<1x16xf32>,
        %swap3A_192 = vector.shape_cast %swap3A_191 : vector<1x16xf32> to vector<16xf32>
        %swap3A_193 = vector.shape_cast %mul3A_189 : vector<16xf32> to vector<1x16xf32>
        tpu.vector_store %arg8[%swap3A, %swap3A_190], %swap3A_193 {strides = array<i32>} : memref<8x1024xf32, #tpu.memory_space<vmem>>, vector<1x16xf32>,
      }
      %scan3A_151 = arith.constant 64 : i32
    }
    %scan3A_58 = arith.constant 8 : i32
    %add3A_59 = arith.constant 16 : i32
    %add3A_60 = arith.addi %mul3A_2, %add3A_59 : i32
    "tpu.region"() ({
      %run_scoped3A = tpu.sem_alloc : memref<!tpu.dma_semaphore, #tpu.memory_space<semaphore_mem>>
      %dma_start3A_146 = arith.constant 0 : i32
      %dma_start3A_147 = tpu.memref_slice %arg4[%add3A_60, %dma_start3A_146] : memref<2048x1024xf32, #tpu.memory_space<hbm>> -> memref<8x1024xf32, #tpu.memory_space<hbm>>
      %dma_start3A_148 = arith.constant 0 : i32
      %dma_start3A_149 = tpu.memref_slice %arg4[%add3A_60, %dma_start3A_148] : memref<2048x1024xf32, #tpu.memory_space<hbm>> -> memref<8x1024xf32, #tpu.memory_space<hbm>>
      tpu.enqueue_dma source(%arg8 : memref<8x1024xf32, #tpu.memory_space<vmem>>) target(%dma_start3A_149 : memref<8x1024xf32, #tpu.memory_space<hbm>>) target_semaphore(%run_scoped3A : memref<!tpu.dma_semaphore, #tpu.memory_space<semaphore_mem>>)
      %dma_wait3A_150 = arith.constant 0 : i32
      %dma_wait3A_151 = tpu.memref_slice %arg4[%add3A_60, %dma_wait3A_150] : memref<2048x1024xf32, #tpu.memory_space<hbm>> -> memref<8x1024xf32, #tpu.memory_space<hbm>>
      %dma_wait3A_152 = arith.constant 0 : i32
      %dma_wait3A_153 = tpu.memref_slice %arg4[%add3A_60, %dma_wait3A_152] : memref<2048x1024xf32, #tpu.memory_space<hbm>> -> memref<8x1024xf32, #tpu.memory_space<hbm>>
      tpu.wait_dma2 semaphore(%run_scoped3A : memref<!tpu.dma_semaphore, #tpu.memory_space<semaphore_mem>>) src(%arg8 : memref<8x1024xf32, #tpu.memory_space<vmem>>) dst(%dma_wait3A_153 : memref<8x1024xf32, #tpu.memory_space<hbm>>)
      tpu.yield
    }) : () -> ()
    %dma_start3A_61 = arith.constant 128 : i32
    %dma_start3A_62 = tpu.memref_slice %arg5[%dma_start3A_61] : memref<256xi32, #tpu.memory_space<vmem>> -> memref<32xi32, #tpu.memory_space<vmem>>
    %dma_start3A_63 = arith.constant 0 : i32
    %dma_start3A_64 = arith.constant 0 : i32
    %dma_start3A_65 = tpu.memref_slice %arg2[%dma_start3A_63, %dma_start3A_64] : memref<16384x1024xf32, #tpu.memory_space<hbm>> -> memref<16384x1024xf32, #tpu.memory_space<hbm>>
    tpu.enqueue_indirect_dma source(%dma_start3A_65 : memref<16384x1024xf32, #tpu.memory_space<hbm>>) target(%arg6 : memref<32x1024xf32, #tpu.memory_space<vmem>>) offsets(%dma_start3A_62 : memref<32xi32, #tpu.memory_space<vmem>>) semaphore(%arg9 : memref<!tpu.dma_semaphore, #tpu.memory_space<semaphore_mem>>)
    %dma_wait3A_66 = arith.constant 96 : i32
    %dma_wait3A_67 = tpu.memref_slice %arg5[%dma_wait3A_66] : memref<256xi32, #tpu.memory_space<vmem>> -> memref<32xi32, #tpu.memory_space<vmem>>
    %dma_wait3A_68 = arith.constant 0 : i32
    %dma_wait3A_69 = arith.constant 0 : i32
    %dma_wait3A_70 = tpu.memref_slice %arg2[%dma_wait3A_68, %dma_wait3A_69] : memref<16384x1024xf32, #tpu.memory_space<hbm>> -> memref<16384x1024xf32, #tpu.memory_space<hbm>>
    tpu.wait_indirect_dma semaphore(%arg10 : memref<!tpu.dma_semaphore, #tpu.memory_space<semaphore_mem>>) src(%dma_wait3A_70 : memref<16384x1024xf32, #tpu.memory_space<hbm>>) dst(%arg7 : memref<32x1024xf32, #tpu.memory_space<vmem>>)
    %scan3A_71 = arith.constant 0 : i32
    %scan3A_72 = arith.constant 0 : i32
    %scan3A_73 = arith.constant 8 : i32
    %scan3A_74 = arith.addi %scan3A_72, %scan3A_73 : i32
    %scan3A_75 = arith.constant 1 : i32
    scf.for %scan3A_146 = %scan3A_72 to %scan3A_74 step %scan3A_75  : i32 {
      %scan3A_147 = arith.constant 0 : i32
      %scan3A_148 = arith.constant 64 : i32
      %scan3A_149 = arith.addi %scan3A_147, %scan3A_148 : i32
      %scan3A_150 = arith.constant 1 : i32
      scf.for %scan3A_152 = %scan3A_147 to %scan3A_149 step %scan3A_150  : i32 {
        %mul3A_153 = arith.constant 16 : i32
        %mul3A_154 = arith.muli %scan3A_152, %mul3A_153 : i32
        %mul3A_155 = arith.constant 4 : i32
        %mul3A_156 = arith.muli %mul3A_155, %scan3A_146 : i32
        %get3A = arith.index_cast %mul3A_156 : i32 to index
        %get3A_157 = arith.index_cast %mul3A_154 : i32 to index
        %get3A_158 = tpu.vector_load %arg7[%get3A, %get3A_157] {strides = array<i32>} : memref<32x1024xf32, #tpu.memory_space<vmem>>, vector<1x16xf32>,
        %get3A_159 = vector.shape_cast %get3A_158 : vector<1x16xf32> to vector<16xf32>
        %mul3A_160 = arith.constant 4 : i32
        %mul3A_161 = arith.muli %mul3A_160, %scan3A_146 : i32
        %add3A_162 = arith.constant 1 : i32
        %add3A_163 = arith.addi %mul3A_161, %add3A_162 : i32
        %get3A_164 = arith.index_cast %add3A_163 : i32 to index
        %get3A_165 = arith.index_cast %mul3A_154 : i32 to index
        %get3A_166 = tpu.vector_load %arg7[%get3A_164, %get3A_165] {strides = array<i32>} : memref<32x1024xf32, #tpu.memory_space<vmem>>, vector<1x16xf32>,
        %get3A_167 = vector.shape_cast %get3A_166 : vector<1x16xf32> to vector<16xf32>
        %add3A_168 = arith.addf %get3A_159, %get3A_167 : vector<16xf32>
        %mul3A_169 = arith.constant 4 : i32
        %mul3A_170 = arith.muli %mul3A_169, %scan3A_146 : i32
        %add3A_171 = arith.constant 2 : i32
        %add3A_172 = arith.addi %mul3A_170, %add3A_171 : i32
        %get3A_173 = arith.index_cast %add3A_172 : i32 to index
        %get3A_174 = arith.index_cast %mul3A_154 : i32 to index
        %get3A_175 = tpu.vector_load %arg7[%get3A_173, %get3A_174] {strides = array<i32>} : memref<32x1024xf32, #tpu.memory_space<vmem>>, vector<1x16xf32>,
        %get3A_176 = vector.shape_cast %get3A_175 : vector<1x16xf32> to vector<16xf32>
        %add3A_177 = arith.addf %add3A_168, %get3A_176 : vector<16xf32>
        %mul3A_178 = arith.constant 4 : i32
        %mul3A_179 = arith.muli %mul3A_178, %scan3A_146 : i32
        %add3A_180 = arith.constant 3 : i32
        %add3A_181 = arith.addi %mul3A_179, %add3A_180 : i32
        %get3A_182 = arith.index_cast %add3A_181 : i32 to index
        %get3A_183 = arith.index_cast %mul3A_154 : i32 to index
        %get3A_184 = tpu.vector_load %arg7[%get3A_182, %get3A_183] {strides = array<i32>} : memref<32x1024xf32, #tpu.memory_space<vmem>>, vector<1x16xf32>,
        %get3A_185 = vector.shape_cast %get3A_184 : vector<1x16xf32> to vector<16xf32>
        %add3A_186 = arith.addf %add3A_177, %get3A_185 : vector<16xf32>
        %mul3A_187 = arith.constant 2.500000e-01 : f32
        %mul3A_188 = vector.broadcast %mul3A_187 : f32 to vector<16xf32>
        %mul3A_189 = arith.mulf %add3A_186, %mul3A_188 : vector<16xf32>
        %swap3A = arith.index_cast %scan3A_146 : i32 to index
        %swap3A_190 = arith.index_cast %mul3A_154 : i32 to index
        %swap3A_191 = tpu.vector_load %arg8[%swap3A, %swap3A_190] {strides = array<i32>} : memref<8x1024xf32, #tpu.memory_space<vmem>>, vector<1x16xf32>,
        %swap3A_192 = vector.shape_cast %swap3A_191 : vector<1x16xf32> to vector<16xf32>
        %swap3A_193 = vector.shape_cast %mul3A_189 : vector<16xf32> to vector<1x16xf32>
        tpu.vector_store %arg8[%swap3A, %swap3A_190], %swap3A_193 {strides = array<i32>} : memref<8x1024xf32, #tpu.memory_space<vmem>>, vector<1x16xf32>,
      }
      %scan3A_151 = arith.constant 64 : i32
    }
    %scan3A_76 = arith.constant 8 : i32
    %add3A_77 = arith.constant 24 : i32
    %add3A_78 = arith.addi %mul3A_2, %add3A_77 : i32
    "tpu.region"() ({
      %run_scoped3A = tpu.sem_alloc : memref<!tpu.dma_semaphore, #tpu.memory_space<semaphore_mem>>
      %dma_start3A_146 = arith.constant 0 : i32
      %dma_start3A_147 = tpu.memref_slice %arg4[%add3A_78, %dma_start3A_146] : memref<2048x1024xf32, #tpu.memory_space<hbm>> -> memref<8x1024xf32, #tpu.memory_space<hbm>>
      %dma_start3A_148 = arith.constant 0 : i32
      %dma_start3A_149 = tpu.memref_slice %arg4[%add3A_78, %dma_start3A_148] : memref<2048x1024xf32, #tpu.memory_space<hbm>> -> memref<8x1024xf32, #tpu.memory_space<hbm>>
      tpu.enqueue_dma source(%arg8 : memref<8x1024xf32, #tpu.memory_space<vmem>>) target(%dma_start3A_149 : memref<8x1024xf32, #tpu.memory_space<hbm>>) target_semaphore(%run_scoped3A : memref<!tpu.dma_semaphore, #tpu.memory_space<semaphore_mem>>)
      %dma_wait3A_150 = arith.constant 0 : i32
      %dma_wait3A_151 = tpu.memref_slice %arg4[%add3A_78, %dma_wait3A_150] : memref<2048x1024xf32, #tpu.memory_space<hbm>> -> memref<8x1024xf32, #tpu.memory_space<hbm>>
      %dma_wait3A_152 = arith.constant 0 : i32
      %dma_wait3A_153 = tpu.memref_slice %arg4[%add3A_78, %dma_wait3A_152] : memref<2048x1024xf32, #tpu.memory_space<hbm>> -> memref<8x1024xf32, #tpu.memory_space<hbm>>
      tpu.wait_dma2 semaphore(%run_scoped3A : memref<!tpu.dma_semaphore, #tpu.memory_space<semaphore_mem>>) src(%arg8 : memref<8x1024xf32, #tpu.memory_space<vmem>>) dst(%dma_wait3A_153 : memref<8x1024xf32, #tpu.memory_space<hbm>>)
      tpu.yield
    }) : () -> ()
    %dma_start3A_79 = arith.constant 160 : i32
    %dma_start3A_80 = tpu.memref_slice %arg5[%dma_start3A_79] : memref<256xi32, #tpu.memory_space<vmem>> -> memref<32xi32, #tpu.memory_space<vmem>>
    %dma_start3A_81 = arith.constant 0 : i32
    %dma_start3A_82 = arith.constant 0 : i32
    %dma_start3A_83 = tpu.memref_slice %arg2[%dma_start3A_81, %dma_start3A_82] : memref<16384x1024xf32, #tpu.memory_space<hbm>> -> memref<16384x1024xf32, #tpu.memory_space<hbm>>
    tpu.enqueue_indirect_dma source(%dma_start3A_83 : memref<16384x1024xf32, #tpu.memory_space<hbm>>) target(%arg7 : memref<32x1024xf32, #tpu.memory_space<vmem>>) offsets(%dma_start3A_80 : memref<32xi32, #tpu.memory_space<vmem>>) semaphore(%arg10 : memref<!tpu.dma_semaphore, #tpu.memory_space<semaphore_mem>>)
    %dma_wait3A_84 = arith.constant 128 : i32
    %dma_wait3A_85 = tpu.memref_slice %arg5[%dma_wait3A_84] : memref<256xi32, #tpu.memory_space<vmem>> -> memref<32xi32, #tpu.memory_space<vmem>>
    %dma_wait3A_86 = arith.constant 0 : i32
    %dma_wait3A_87 = arith.constant 0 : i32
    %dma_wait3A_88 = tpu.memref_slice %arg2[%dma_wait3A_86, %dma_wait3A_87] : memref<16384x1024xf32, #tpu.memory_space<hbm>> -> memref<16384x1024xf32, #tpu.memory_space<hbm>>
    tpu.wait_indirect_dma semaphore(%arg9 : memref<!tpu.dma_semaphore, #tpu.memory_space<semaphore_mem>>) src(%dma_wait3A_88 : memref<16384x1024xf32, #tpu.memory_space<hbm>>) dst(%arg6 : memref<32x1024xf32, #tpu.memory_space<vmem>>)
    %scan3A_89 = arith.constant 0 : i32
    %scan3A_90 = arith.constant 0 : i32
    %scan3A_91 = arith.constant 8 : i32
    %scan3A_92 = arith.addi %scan3A_90, %scan3A_91 : i32
    %scan3A_93 = arith.constant 1 : i32
    scf.for %scan3A_146 = %scan3A_90 to %scan3A_92 step %scan3A_93  : i32 {
      %scan3A_147 = arith.constant 0 : i32
      %scan3A_148 = arith.constant 64 : i32
      %scan3A_149 = arith.addi %scan3A_147, %scan3A_148 : i32
      %scan3A_150 = arith.constant 1 : i32
      scf.for %scan3A_152 = %scan3A_147 to %scan3A_149 step %scan3A_150  : i32 {
        %mul3A_153 = arith.constant 16 : i32
        %mul3A_154 = arith.muli %scan3A_152, %mul3A_153 : i32
        %mul3A_155 = arith.constant 4 : i32
        %mul3A_156 = arith.muli %mul3A_155, %scan3A_146 : i32
        %get3A = arith.index_cast %mul3A_156 : i32 to index
        %get3A_157 = arith.index_cast %mul3A_154 : i32 to index
        %get3A_158 = tpu.vector_load %arg6[%get3A, %get3A_157] {strides = array<i32>} : memref<32x1024xf32, #tpu.memory_space<vmem>>, vector<1x16xf32>,
        %get3A_159 = vector.shape_cast %get3A_158 : vector<1x16xf32> to vector<16xf32>
        %mul3A_160 = arith.constant 4 : i32
        %mul3A_161 = arith.muli %mul3A_160, %scan3A_146 : i32
        %add3A_162 = arith.constant 1 : i32
        %add3A_163 = arith.addi %mul3A_161, %add3A_162 : i32
        %get3A_164 = arith.index_cast %add3A_163 : i32 to index
        %get3A_165 = arith.index_cast %mul3A_154 : i32 to index
        %get3A_166 = tpu.vector_load %arg6[%get3A_164, %get3A_165] {strides = array<i32>} : memref<32x1024xf32, #tpu.memory_space<vmem>>, vector<1x16xf32>,
        %get3A_167 = vector.shape_cast %get3A_166 : vector<1x16xf32> to vector<16xf32>
        %add3A_168 = arith.addf %get3A_159, %get3A_167 : vector<16xf32>
        %mul3A_169 = arith.constant 4 : i32
        %mul3A_170 = arith.muli %mul3A_169, %scan3A_146 : i32
        %add3A_171 = arith.constant 2 : i32
        %add3A_172 = arith.addi %mul3A_170, %add3A_171 : i32
        %get3A_173 = arith.index_cast %add3A_172 : i32 to index
        %get3A_174 = arith.index_cast %mul3A_154 : i32 to index
        %get3A_175 = tpu.vector_load %arg6[%get3A_173, %get3A_174] {strides = array<i32>} : memref<32x1024xf32, #tpu.memory_space<vmem>>, vector<1x16xf32>,
        %get3A_176 = vector.shape_cast %get3A_175 : vector<1x16xf32> to vector<16xf32>
        %add3A_177 = arith.addf %add3A_168, %get3A_176 : vector<16xf32>
        %mul3A_178 = arith.constant 4 : i32
        %mul3A_179 = arith.muli %mul3A_178, %scan3A_146 : i32
        %add3A_180 = arith.constant 3 : i32
        %add3A_181 = arith.addi %mul3A_179, %add3A_180 : i32
        %get3A_182 = arith.index_cast %add3A_181 : i32 to index
        %get3A_183 = arith.index_cast %mul3A_154 : i32 to index
        %get3A_184 = tpu.vector_load %arg6[%get3A_182, %get3A_183] {strides = array<i32>} : memref<32x1024xf32, #tpu.memory_space<vmem>>, vector<1x16xf32>,
        %get3A_185 = vector.shape_cast %get3A_184 : vector<1x16xf32> to vector<16xf32>
        %add3A_186 = arith.addf %add3A_177, %get3A_185 : vector<16xf32>
        %mul3A_187 = arith.constant 2.500000e-01 : f32
        %mul3A_188 = vector.broadcast %mul3A_187 : f32 to vector<16xf32>
        %mul3A_189 = arith.mulf %add3A_186, %mul3A_188 : vector<16xf32>
        %swap3A = arith.index_cast %scan3A_146 : i32 to index
        %swap3A_190 = arith.index_cast %mul3A_154 : i32 to index
        %swap3A_191 = tpu.vector_load %arg8[%swap3A, %swap3A_190] {strides = array<i32>} : memref<8x1024xf32, #tpu.memory_space<vmem>>, vector<1x16xf32>,
        %swap3A_192 = vector.shape_cast %swap3A_191 : vector<1x16xf32> to vector<16xf32>
        %swap3A_193 = vector.shape_cast %mul3A_189 : vector<16xf32> to vector<1x16xf32>
        tpu.vector_store %arg8[%swap3A, %swap3A_190], %swap3A_193 {strides = array<i32>} : memref<8x1024xf32, #tpu.memory_space<vmem>>, vector<1x16xf32>,
      }
      %scan3A_151 = arith.constant 64 : i32
    }
    %scan3A_94 = arith.constant 8 : i32
    %add3A_95 = arith.constant 32 : i32
    %add3A_96 = arith.addi %mul3A_2, %add3A_95 : i32
    "tpu.region"() ({
      %run_scoped3A = tpu.sem_alloc : memref<!tpu.dma_semaphore, #tpu.memory_space<semaphore_mem>>
      %dma_start3A_146 = arith.constant 0 : i32
      %dma_start3A_147 = tpu.memref_slice %arg4[%add3A_96, %dma_start3A_146] : memref<2048x1024xf32, #tpu.memory_space<hbm>> -> memref<8x1024xf32, #tpu.memory_space<hbm>>
      %dma_start3A_148 = arith.constant 0 : i32
      %dma_start3A_149 = tpu.memref_slice %arg4[%add3A_96, %dma_start3A_148] : memref<2048x1024xf32, #tpu.memory_space<hbm>> -> memref<8x1024xf32, #tpu.memory_space<hbm>>
      tpu.enqueue_dma source(%arg8 : memref<8x1024xf32, #tpu.memory_space<vmem>>) target(%dma_start3A_149 : memref<8x1024xf32, #tpu.memory_space<hbm>>) target_semaphore(%run_scoped3A : memref<!tpu.dma_semaphore, #tpu.memory_space<semaphore_mem>>)
      %dma_wait3A_150 = arith.constant 0 : i32
      %dma_wait3A_151 = tpu.memref_slice %arg4[%add3A_96, %dma_wait3A_150] : memref<2048x1024xf32, #tpu.memory_space<hbm>> -> memref<8x1024xf32, #tpu.memory_space<hbm>>
      %dma_wait3A_152 = arith.constant 0 : i32
      %dma_wait3A_153 = tpu.memref_slice %arg4[%add3A_96, %dma_wait3A_152] : memref<2048x1024xf32, #tpu.memory_space<hbm>> -> memref<8x1024xf32, #tpu.memory_space<hbm>>
      tpu.wait_dma2 semaphore(%run_scoped3A : memref<!tpu.dma_semaphore, #tpu.memory_space<semaphore_mem>>) src(%arg8 : memref<8x1024xf32, #tpu.memory_space<vmem>>) dst(%dma_wait3A_153 : memref<8x1024xf32, #tpu.memory_space<hbm>>)
      tpu.yield
    }) : () -> ()
    %dma_start3A_97 = arith.constant 192 : i32
    %dma_start3A_98 = tpu.memref_slice %arg5[%dma_start3A_97] : memref<256xi32, #tpu.memory_space<vmem>> -> memref<32xi32, #tpu.memory_space<vmem>>
    %dma_start3A_99 = arith.constant 0 : i32
    %dma_start3A_100 = arith.constant 0 : i32
    %dma_start3A_101 = tpu.memref_slice %arg2[%dma_start3A_99, %dma_start3A_100] : memref<16384x1024xf32, #tpu.memory_space<hbm>> -> memref<16384x1024xf32, #tpu.memory_space<hbm>>
    tpu.enqueue_indirect_dma source(%dma_start3A_101 : memref<16384x1024xf32, #tpu.memory_space<hbm>>) target(%arg6 : memref<32x1024xf32, #tpu.memory_space<vmem>>) offsets(%dma_start3A_98 : memref<32xi32, #tpu.memory_space<vmem>>) semaphore(%arg9 : memref<!tpu.dma_semaphore, #tpu.memory_space<semaphore_mem>>)
    %dma_wait3A_102 = arith.constant 160 : i32
    %dma_wait3A_103 = tpu.memref_slice %arg5[%dma_wait3A_102] : memref<256xi32, #tpu.memory_space<vmem>> -> memref<32xi32, #tpu.memory_space<vmem>>
    %dma_wait3A_104 = arith.constant 0 : i32
    %dma_wait3A_105 = arith.constant 0 : i32
    %dma_wait3A_106 = tpu.memref_slice %arg2[%dma_wait3A_104, %dma_wait3A_105] : memref<16384x1024xf32, #tpu.memory_space<hbm>> -> memref<16384x1024xf32, #tpu.memory_space<hbm>>
    tpu.wait_indirect_dma semaphore(%arg10 : memref<!tpu.dma_semaphore, #tpu.memory_space<semaphore_mem>>) src(%dma_wait3A_106 : memref<16384x1024xf32, #tpu.memory_space<hbm>>) dst(%arg7 : memref<32x1024xf32, #tpu.memory_space<vmem>>)
    %scan3A_107 = arith.constant 0 : i32
    %scan3A_108 = arith.constant 0 : i32
    %scan3A_109 = arith.constant 8 : i32
    %scan3A_110 = arith.addi %scan3A_108, %scan3A_109 : i32
    %scan3A_111 = arith.constant 1 : i32
    scf.for %scan3A_146 = %scan3A_108 to %scan3A_110 step %scan3A_111  : i32 {
      %scan3A_147 = arith.constant 0 : i32
      %scan3A_148 = arith.constant 64 : i32
      %scan3A_149 = arith.addi %scan3A_147, %scan3A_148 : i32
      %scan3A_150 = arith.constant 1 : i32
      scf.for %scan3A_152 = %scan3A_147 to %scan3A_149 step %scan3A_150  : i32 {
        %mul3A_153 = arith.constant 16 : i32
        %mul3A_154 = arith.muli %scan3A_152, %mul3A_153 : i32
        %mul3A_155 = arith.constant 4 : i32
        %mul3A_156 = arith.muli %mul3A_155, %scan3A_146 : i32
        %get3A = arith.index_cast %mul3A_156 : i32 to index
        %get3A_157 = arith.index_cast %mul3A_154 : i32 to index
        %get3A_158 = tpu.vector_load %arg7[%get3A, %get3A_157] {strides = array<i32>} : memref<32x1024xf32, #tpu.memory_space<vmem>>, vector<1x16xf32>,
        %get3A_159 = vector.shape_cast %get3A_158 : vector<1x16xf32> to vector<16xf32>
        %mul3A_160 = arith.constant 4 : i32
        %mul3A_161 = arith.muli %mul3A_160, %scan3A_146 : i32
        %add3A_162 = arith.constant 1 : i32
        %add3A_163 = arith.addi %mul3A_161, %add3A_162 : i32
        %get3A_164 = arith.index_cast %add3A_163 : i32 to index
        %get3A_165 = arith.index_cast %mul3A_154 : i32 to index
        %get3A_166 = tpu.vector_load %arg7[%get3A_164, %get3A_165] {strides = array<i32>} : memref<32x1024xf32, #tpu.memory_space<vmem>>, vector<1x16xf32>,
        %get3A_167 = vector.shape_cast %get3A_166 : vector<1x16xf32> to vector<16xf32>
        %add3A_168 = arith.addf %get3A_159, %get3A_167 : vector<16xf32>
        %mul3A_169 = arith.constant 4 : i32
        %mul3A_170 = arith.muli %mul3A_169, %scan3A_146 : i32
        %add3A_171 = arith.constant 2 : i32
        %add3A_172 = arith.addi %mul3A_170, %add3A_171 : i32
        %get3A_173 = arith.index_cast %add3A_172 : i32 to index
        %get3A_174 = arith.index_cast %mul3A_154 : i32 to index
        %get3A_175 = tpu.vector_load %arg7[%get3A_173, %get3A_174] {strides = array<i32>} : memref<32x1024xf32, #tpu.memory_space<vmem>>, vector<1x16xf32>,
        %get3A_176 = vector.shape_cast %get3A_175 : vector<1x16xf32> to vector<16xf32>
        %add3A_177 = arith.addf %add3A_168, %get3A_176 : vector<16xf32>
        %mul3A_178 = arith.constant 4 : i32
        %mul3A_179 = arith.muli %mul3A_178, %scan3A_146 : i32
        %add3A_180 = arith.constant 3 : i32
        %add3A_181 = arith.addi %mul3A_179, %add3A_180 : i32
        %get3A_182 = arith.index_cast %add3A_181 : i32 to index
        %get3A_183 = arith.index_cast %mul3A_154 : i32 to index
        %get3A_184 = tpu.vector_load %arg7[%get3A_182, %get3A_183] {strides = array<i32>} : memref<32x1024xf32, #tpu.memory_space<vmem>>, vector<1x16xf32>,
        %get3A_185 = vector.shape_cast %get3A_184 : vector<1x16xf32> to vector<16xf32>
        %add3A_186 = arith.addf %add3A_177, %get3A_185 : vector<16xf32>
        %mul3A_187 = arith.constant 2.500000e-01 : f32
        %mul3A_188 = vector.broadcast %mul3A_187 : f32 to vector<16xf32>
        %mul3A_189 = arith.mulf %add3A_186, %mul3A_188 : vector<16xf32>
        %swap3A = arith.index_cast %scan3A_146 : i32 to index
        %swap3A_190 = arith.index_cast %mul3A_154 : i32 to index
        %swap3A_191 = tpu.vector_load %arg8[%swap3A, %swap3A_190] {strides = array<i32>} : memref<8x1024xf32, #tpu.memory_space<vmem>>, vector<1x16xf32>,
        %swap3A_192 = vector.shape_cast %swap3A_191 : vector<1x16xf32> to vector<16xf32>
        %swap3A_193 = vector.shape_cast %mul3A_189 : vector<16xf32> to vector<1x16xf32>
        tpu.vector_store %arg8[%swap3A, %swap3A_190], %swap3A_193 {strides = array<i32>} : memref<8x1024xf32, #tpu.memory_space<vmem>>, vector<1x16xf32>,
      }
      %scan3A_151 = arith.constant 64 : i32
    }
    %scan3A_112 = arith.constant 8 : i32
    %add3A_113 = arith.constant 40 : i32
    %add3A_114 = arith.addi %mul3A_2, %add3A_113 : i32
    "tpu.region"() ({
      %run_scoped3A = tpu.sem_alloc : memref<!tpu.dma_semaphore, #tpu.memory_space<semaphore_mem>>
      %dma_start3A_146 = arith.constant 0 : i32
      %dma_start3A_147 = tpu.memref_slice %arg4[%add3A_114, %dma_start3A_146] : memref<2048x1024xf32, #tpu.memory_space<hbm>> -> memref<8x1024xf32, #tpu.memory_space<hbm>>
      %dma_start3A_148 = arith.constant 0 : i32
      %dma_start3A_149 = tpu.memref_slice %arg4[%add3A_114, %dma_start3A_148] : memref<2048x1024xf32, #tpu.memory_space<hbm>> -> memref<8x1024xf32, #tpu.memory_space<hbm>>
      tpu.enqueue_dma source(%arg8 : memref<8x1024xf32, #tpu.memory_space<vmem>>) target(%dma_start3A_149 : memref<8x1024xf32, #tpu.memory_space<hbm>>) target_semaphore(%run_scoped3A : memref<!tpu.dma_semaphore, #tpu.memory_space<semaphore_mem>>)
      %dma_wait3A_150 = arith.constant 0 : i32
      %dma_wait3A_151 = tpu.memref_slice %arg4[%add3A_114, %dma_wait3A_150] : memref<2048x1024xf32, #tpu.memory_space<hbm>> -> memref<8x1024xf32, #tpu.memory_space<hbm>>
      %dma_wait3A_152 = arith.constant 0 : i32
      %dma_wait3A_153 = tpu.memref_slice %arg4[%add3A_114, %dma_wait3A_152] : memref<2048x1024xf32, #tpu.memory_space<hbm>> -> memref<8x1024xf32, #tpu.memory_space<hbm>>
      tpu.wait_dma2 semaphore(%run_scoped3A : memref<!tpu.dma_semaphore, #tpu.memory_space<semaphore_mem>>) src(%arg8 : memref<8x1024xf32, #tpu.memory_space<vmem>>) dst(%dma_wait3A_153 : memref<8x1024xf32, #tpu.memory_space<hbm>>)
      tpu.yield
    }) : () -> ()
    %dma_start3A_115 = arith.constant 224 : i32
    %dma_start3A_116 = tpu.memref_slice %arg5[%dma_start3A_115] : memref<256xi32, #tpu.memory_space<vmem>> -> memref<32xi32, #tpu.memory_space<vmem>>
    %dma_start3A_117 = arith.constant 0 : i32
    %dma_start3A_118 = arith.constant 0 : i32
    %dma_start3A_119 = tpu.memref_slice %arg2[%dma_start3A_117, %dma_start3A_118] : memref<16384x1024xf32, #tpu.memory_space<hbm>> -> memref<16384x1024xf32, #tpu.memory_space<hbm>>
    tpu.enqueue_indirect_dma source(%dma_start3A_119 : memref<16384x1024xf32, #tpu.memory_space<hbm>>) target(%arg7 : memref<32x1024xf32, #tpu.memory_space<vmem>>) offsets(%dma_start3A_116 : memref<32xi32, #tpu.memory_space<vmem>>) semaphore(%arg10 : memref<!tpu.dma_semaphore, #tpu.memory_space<semaphore_mem>>)
    %dma_wait3A_120 = arith.constant 192 : i32
    %dma_wait3A_121 = tpu.memref_slice %arg5[%dma_wait3A_120] : memref<256xi32, #tpu.memory_space<vmem>> -> memref<32xi32, #tpu.memory_space<vmem>>
    %dma_wait3A_122 = arith.constant 0 : i32
    %dma_wait3A_123 = arith.constant 0 : i32
    %dma_wait3A_124 = tpu.memref_slice %arg2[%dma_wait3A_122, %dma_wait3A_123] : memref<16384x1024xf32, #tpu.memory_space<hbm>> -> memref<16384x1024xf32, #tpu.memory_space<hbm>>
    tpu.wait_indirect_dma semaphore(%arg9 : memref<!tpu.dma_semaphore, #tpu.memory_space<semaphore_mem>>) src(%dma_wait3A_124 : memref<16384x1024xf32, #tpu.memory_space<hbm>>) dst(%arg6 : memref<32x1024xf32, #tpu.memory_space<vmem>>)
    %scan3A_125 = arith.constant 0 : i32
    %scan3A_126 = arith.constant 0 : i32
    %scan3A_127 = arith.constant 8 : i32
    %scan3A_128 = arith.addi %scan3A_126, %scan3A_127 : i32
    %scan3A_129 = arith.constant 1 : i32
    scf.for %scan3A_146 = %scan3A_126 to %scan3A_128 step %scan3A_129  : i32 {
      %scan3A_147 = arith.constant 0 : i32
      %scan3A_148 = arith.constant 64 : i32
      %scan3A_149 = arith.addi %scan3A_147, %scan3A_148 : i32
      %scan3A_150 = arith.constant 1 : i32
      scf.for %scan3A_152 = %scan3A_147 to %scan3A_149 step %scan3A_150  : i32 {
        %mul3A_153 = arith.constant 16 : i32
        %mul3A_154 = arith.muli %scan3A_152, %mul3A_153 : i32
        %mul3A_155 = arith.constant 4 : i32
        %mul3A_156 = arith.muli %mul3A_155, %scan3A_146 : i32
        %get3A = arith.index_cast %mul3A_156 : i32 to index
        %get3A_157 = arith.index_cast %mul3A_154 : i32 to index
        %get3A_158 = tpu.vector_load %arg6[%get3A, %get3A_157] {strides = array<i32>} : memref<32x1024xf32, #tpu.memory_space<vmem>>, vector<1x16xf32>,
        %get3A_159 = vector.shape_cast %get3A_158 : vector<1x16xf32> to vector<16xf32>
        %mul3A_160 = arith.constant 4 : i32
        %mul3A_161 = arith.muli %mul3A_160, %scan3A_146 : i32
        %add3A_162 = arith.constant 1 : i32
        %add3A_163 = arith.addi %mul3A_161, %add3A_162 : i32
        %get3A_164 = arith.index_cast %add3A_163 : i32 to index
        %get3A_165 = arith.index_cast %mul3A_154 : i32 to index
        %get3A_166 = tpu.vector_load %arg6[%get3A_164, %get3A_165] {strides = array<i32>} : memref<32x1024xf32, #tpu.memory_space<vmem>>, vector<1x16xf32>,
        %get3A_167 = vector.shape_cast %get3A_166 : vector<1x16xf32> to vector<16xf32>
        %add3A_168 = arith.addf %get3A_159, %get3A_167 : vector<16xf32>
        %mul3A_169 = arith.constant 4 : i32
        %mul3A_170 = arith.muli %mul3A_169, %scan3A_146 : i32
        %add3A_171 = arith.constant 2 : i32
        %add3A_172 = arith.addi %mul3A_170, %add3A_171 : i32
        %get3A_173 = arith.index_cast %add3A_172 : i32 to index
        %get3A_174 = arith.index_cast %mul3A_154 : i32 to index
        %get3A_175 = tpu.vector_load %arg6[%get3A_173, %get3A_174] {strides = array<i32>} : memref<32x1024xf32, #tpu.memory_space<vmem>>, vector<1x16xf32>,
        %get3A_176 = vector.shape_cast %get3A_175 : vector<1x16xf32> to vector<16xf32>
        %add3A_177 = arith.addf %add3A_168, %get3A_176 : vector<16xf32>
        %mul3A_178 = arith.constant 4 : i32
        %mul3A_179 = arith.muli %mul3A_178, %scan3A_146 : i32
        %add3A_180 = arith.constant 3 : i32
        %add3A_181 = arith.addi %mul3A_179, %add3A_180 : i32
        %get3A_182 = arith.index_cast %add3A_181 : i32 to index
        %get3A_183 = arith.index_cast %mul3A_154 : i32 to index
        %get3A_184 = tpu.vector_load %arg6[%get3A_182, %get3A_183] {strides = array<i32>} : memref<32x1024xf32, #tpu.memory_space<vmem>>, vector<1x16xf32>,
        %get3A_185 = vector.shape_cast %get3A_184 : vector<1x16xf32> to vector<16xf32>
        %add3A_186 = arith.addf %add3A_177, %get3A_185 : vector<16xf32>
        %mul3A_187 = arith.constant 2.500000e-01 : f32
        %mul3A_188 = vector.broadcast %mul3A_187 : f32 to vector<16xf32>
        %mul3A_189 = arith.mulf %add3A_186, %mul3A_188 : vector<16xf32>
        %swap3A = arith.index_cast %scan3A_146 : i32 to index
        %swap3A_190 = arith.index_cast %mul3A_154 : i32 to index
        %swap3A_191 = tpu.vector_load %arg8[%swap3A, %swap3A_190] {strides = array<i32>} : memref<8x1024xf32, #tpu.memory_space<vmem>>, vector<1x16xf32>,
        %swap3A_192 = vector.shape_cast %swap3A_191 : vector<1x16xf32> to vector<16xf32>
        %swap3A_193 = vector.shape_cast %mul3A_189 : vector<16xf32> to vector<1x16xf32>
        tpu.vector_store %arg8[%swap3A, %swap3A_190], %swap3A_193 {strides = array<i32>} : memref<8x1024xf32, #tpu.memory_space<vmem>>, vector<1x16xf32>,
      }
      %scan3A_151 = arith.constant 64 : i32
    }
    %scan3A_130 = arith.constant 8 : i32
    %add3A_131 = arith.constant 48 : i32
    %add3A_132 = arith.addi %mul3A_2, %add3A_131 : i32
    "tpu.region"() ({
      %run_scoped3A = tpu.sem_alloc : memref<!tpu.dma_semaphore, #tpu.memory_space<semaphore_mem>>
      %dma_start3A_146 = arith.constant 0 : i32
      %dma_start3A_147 = tpu.memref_slice %arg4[%add3A_132, %dma_start3A_146] : memref<2048x1024xf32, #tpu.memory_space<hbm>> -> memref<8x1024xf32, #tpu.memory_space<hbm>>
      %dma_start3A_148 = arith.constant 0 : i32
      %dma_start3A_149 = tpu.memref_slice %arg4[%add3A_132, %dma_start3A_148] : memref<2048x1024xf32, #tpu.memory_space<hbm>> -> memref<8x1024xf32, #tpu.memory_space<hbm>>
      tpu.enqueue_dma source(%arg8 : memref<8x1024xf32, #tpu.memory_space<vmem>>) target(%dma_start3A_149 : memref<8x1024xf32, #tpu.memory_space<hbm>>) target_semaphore(%run_scoped3A : memref<!tpu.dma_semaphore, #tpu.memory_space<semaphore_mem>>)
      %dma_wait3A_150 = arith.constant 0 : i32
      %dma_wait3A_151 = tpu.memref_slice %arg4[%add3A_132, %dma_wait3A_150] : memref<2048x1024xf32, #tpu.memory_space<hbm>> -> memref<8x1024xf32, #tpu.memory_space<hbm>>
      %dma_wait3A_152 = arith.constant 0 : i32
      %dma_wait3A_153 = tpu.memref_slice %arg4[%add3A_132, %dma_wait3A_152] : memref<2048x1024xf32, #tpu.memory_space<hbm>> -> memref<8x1024xf32, #tpu.memory_space<hbm>>
      tpu.wait_dma2 semaphore(%run_scoped3A : memref<!tpu.dma_semaphore, #tpu.memory_space<semaphore_mem>>) src(%arg8 : memref<8x1024xf32, #tpu.memory_space<vmem>>) dst(%dma_wait3A_153 : memref<8x1024xf32, #tpu.memory_space<hbm>>)
      tpu.yield
    }) : () -> ()
    %dma_wait3A_133 = arith.constant 224 : i32
    %dma_wait3A_134 = tpu.memref_slice %arg5[%dma_wait3A_133] : memref<256xi32, #tpu.memory_space<vmem>> -> memref<32xi32, #tpu.memory_space<vmem>>
    %dma_wait3A_135 = arith.constant 0 : i32
    %dma_wait3A_136 = arith.constant 0 : i32
    %dma_wait3A_137 = tpu.memref_slice %arg2[%dma_wait3A_135, %dma_wait3A_136] : memref<16384x1024xf32, #tpu.memory_space<hbm>> -> memref<16384x1024xf32, #tpu.memory_space<hbm>>
    tpu.wait_indirect_dma semaphore(%arg10 : memref<!tpu.dma_semaphore, #tpu.memory_space<semaphore_mem>>) src(%dma_wait3A_137 : memref<16384x1024xf32, #tpu.memory_space<hbm>>) dst(%arg7 : memref<32x1024xf32, #tpu.memory_space<vmem>>)
    %scan3A_138 = arith.constant 0 : i32
    %scan3A_139 = arith.constant 0 : i32
    %scan3A_140 = arith.constant 8 : i32
    %scan3A_141 = arith.addi %scan3A_139, %scan3A_140 : i32
    %scan3A_142 = arith.constant 1 : i32
    scf.for %scan3A_146 = %scan3A_139 to %scan3A_141 step %scan3A_142  : i32 {
      %scan3A_147 = arith.constant 0 : i32
      %scan3A_148 = arith.constant 64 : i32
      %scan3A_149 = arith.addi %scan3A_147, %scan3A_148 : i32
      %scan3A_150 = arith.constant 1 : i32
      scf.for %scan3A_152 = %scan3A_147 to %scan3A_149 step %scan3A_150  : i32 {
        %mul3A_153 = arith.constant 16 : i32
        %mul3A_154 = arith.muli %scan3A_152, %mul3A_153 : i32
        %mul3A_155 = arith.constant 4 : i32
        %mul3A_156 = arith.muli %mul3A_155, %scan3A_146 : i32
        %get3A = arith.index_cast %mul3A_156 : i32 to index
        %get3A_157 = arith.index_cast %mul3A_154 : i32 to index
        %get3A_158 = tpu.vector_load %arg7[%get3A, %get3A_157] {strides = array<i32>} : memref<32x1024xf32, #tpu.memory_space<vmem>>, vector<1x16xf32>,
        %get3A_159 = vector.shape_cast %get3A_158 : vector<1x16xf32> to vector<16xf32>
        %mul3A_160 = arith.constant 4 : i32
        %mul3A_161 = arith.muli %mul3A_160, %scan3A_146 : i32
        %add3A_162 = arith.constant 1 : i32
        %add3A_163 = arith.addi %mul3A_161, %add3A_162 : i32
        %get3A_164 = arith.index_cast %add3A_163 : i32 to index
        %get3A_165 = arith.index_cast %mul3A_154 : i32 to index
        %get3A_166 = tpu.vector_load %arg7[%get3A_164, %get3A_165] {strides = array<i32>} : memref<32x1024xf32, #tpu.memory_space<vmem>>, vector<1x16xf32>,
        %get3A_167 = vector.shape_cast %get3A_166 : vector<1x16xf32> to vector<16xf32>
        %add3A_168 = arith.addf %get3A_159, %get3A_167 : vector<16xf32>
        %mul3A_169 = arith.constant 4 : i32
        %mul3A_170 = arith.muli %mul3A_169, %scan3A_146 : i32
        %add3A_171 = arith.constant 2 : i32
        %add3A_172 = arith.addi %mul3A_170, %add3A_171 : i32
        %get3A_173 = arith.index_cast %add3A_172 : i32 to index
        %get3A_174 = arith.index_cast %mul3A_154 : i32 to index
        %get3A_175 = tpu.vector_load %arg7[%get3A_173, %get3A_174] {strides = array<i32>} : memref<32x1024xf32, #tpu.memory_space<vmem>>, vector<1x16xf32>,
        %get3A_176 = vector.shape_cast %get3A_175 : vector<1x16xf32> to vector<16xf32>
        %add3A_177 = arith.addf %add3A_168, %get3A_176 : vector<16xf32>
        %mul3A_178 = arith.constant 4 : i32
        %mul3A_179 = arith.muli %mul3A_178, %scan3A_146 : i32
        %add3A_180 = arith.constant 3 : i32
        %add3A_181 = arith.addi %mul3A_179, %add3A_180 : i32
        %get3A_182 = arith.index_cast %add3A_181 : i32 to index
        %get3A_183 = arith.index_cast %mul3A_154 : i32 to index
        %get3A_184 = tpu.vector_load %arg7[%get3A_182, %get3A_183] {strides = array<i32>} : memref<32x1024xf32, #tpu.memory_space<vmem>>, vector<1x16xf32>,
        %get3A_185 = vector.shape_cast %get3A_184 : vector<1x16xf32> to vector<16xf32>
        %add3A_186 = arith.addf %add3A_177, %get3A_185 : vector<16xf32>
        %mul3A_187 = arith.constant 2.500000e-01 : f32
        %mul3A_188 = vector.broadcast %mul3A_187 : f32 to vector<16xf32>
        %mul3A_189 = arith.mulf %add3A_186, %mul3A_188 : vector<16xf32>
        %swap3A = arith.index_cast %scan3A_146 : i32 to index
        %swap3A_190 = arith.index_cast %mul3A_154 : i32 to index
        %swap3A_191 = tpu.vector_load %arg8[%swap3A, %swap3A_190] {strides = array<i32>} : memref<8x1024xf32, #tpu.memory_space<vmem>>, vector<1x16xf32>,
        %swap3A_192 = vector.shape_cast %swap3A_191 : vector<1x16xf32> to vector<16xf32>
        %swap3A_193 = vector.shape_cast %mul3A_189 : vector<16xf32> to vector<1x16xf32>
        tpu.vector_store %arg8[%swap3A, %swap3A_190], %swap3A_193 {strides = array<i32>} : memref<8x1024xf32, #tpu.memory_space<vmem>>, vector<1x16xf32>,
      }
      %scan3A_151 = arith.constant 64 : i32
    }
    %scan3A_143 = arith.constant 8 : i32
    %add3A_144 = arith.constant 56 : i32
    %add3A_145 = arith.addi %mul3A_2, %add3A_144 : i32
    "tpu.region"() ({
      %run_scoped3A = tpu.sem_alloc : memref<!tpu.dma_semaphore, #tpu.memory_space<semaphore_mem>>
      %dma_start3A_146 = arith.constant 0 : i32
      %dma_start3A_147 = tpu.memref_slice %arg4[%add3A_145, %dma_start3A_146] : memref<2048x1024xf32, #tpu.memory_space<hbm>> -> memref<8x1024xf32, #tpu.memory_space<hbm>>
      %dma_start3A_148 = arith.constant 0 : i32
      %dma_start3A_149 = tpu.memref_slice %arg4[%add3A_145, %dma_start3A_148] : memref<2048x1024xf32, #tpu.memory_space<hbm>> -> memref<8x1024xf32, #tpu.memory_space<hbm>>
      tpu.enqueue_dma source(%arg8 : memref<8x1024xf32, #tpu.memory_space<vmem>>) target(%dma_start3A_149 : memref<8x1024xf32, #tpu.memory_space<hbm>>) target_semaphore(%run_scoped3A : memref<!tpu.dma_semaphore, #tpu.memory_space<semaphore_mem>>)
      %dma_wait3A_150 = arith.constant 0 : i32
      %dma_wait3A_151 = tpu.memref_slice %arg4[%add3A_145, %dma_wait3A_150] : memref<2048x1024xf32, #tpu.memory_space<hbm>> -> memref<8x1024xf32, #tpu.memory_space<hbm>>
      %dma_wait3A_152 = arith.constant 0 : i32
      %dma_wait3A_153 = tpu.memref_slice %arg4[%add3A_145, %dma_wait3A_152] : memref<2048x1024xf32, #tpu.memory_space<hbm>> -> memref<8x1024xf32, #tpu.memory_space<hbm>>
      tpu.wait_dma2 semaphore(%run_scoped3A : memref<!tpu.dma_semaphore, #tpu.memory_space<semaphore_mem>>) src(%arg8 : memref<8x1024xf32, #tpu.memory_space<vmem>>) dst(%dma_wait3A_153 : memref<8x1024xf32, #tpu.memory_space<hbm>>)
      tpu.yield
    }) : () -> ()
    return
  }
}

module attributes {stable_mosaic.version = 14 : i64} {
  func.func @_topk_body(%arg0: i32, %arg1: i32, %arg2: memref<1024x1024xf32, #tpu.memory_space<vmem>>, %arg3: memref<2048x1024xf32, #tpu.memory_space<vmem>>, %arg4: memref<1024x1xf32, #tpu.memory_space<vmem>>, %arg5: memref<1x2048xf32, #tpu.memory_space<vmem>>, %arg6: memref<1024x4xi32, #tpu.memory_space<vmem>>, %arg7: memref<2048x4xf32, #tpu.memory_space<vmem>>, %arg8: memref<2048x4xi32, #tpu.memory_space<vmem>>) attributes {dimension_semantics = [#tpu.dimension_semantics<arbitrary>, #tpu.dimension_semantics<arbitrary>], iteration_bounds = array<i64: 8, 2>, scalar_prefetch = 0 : i64, scratch_operands = 2 : i64, tpu.core_type = #tpu.core_type<tc>, window_params = [{transform_indices = @transform_0, window_bounds = array<i64: 1024, 1024>}, {transform_indices = @transform_1, window_bounds = array<i64: 2048, 1024>}, {transform_indices = @transform_2, window_bounds = array<i64: 1024, 1>}, {transform_indices = @transform_3, window_bounds = array<i64: 1, 2048>}, {transform_indices = @transform_4, window_bounds = array<i64: 1024, 4>}]} {
    %get3A = arith.constant 0 : index
    %get3A_0 = arith.constant 0 : index
    %get3A_1 = vector.load %arg2[%get3A, %get3A_0] : memref<1024x1024xf32, #tpu.memory_space<vmem>>, vector<1024x1024xf32>
    %get3A_2 = arith.constant 0 : index
    %get3A_3 = arith.constant 0 : index
    %get3A_4 = vector.load %arg3[%get3A_2, %get3A_3] : memref<2048x1024xf32, #tpu.memory_space<vmem>>, vector<2048x1024xf32>
    %dot_general3A = arith.constant dense<0.000000e+00> : vector<1024x2048xf32>
    %dot_general3A_5 = tpu.matmul %get3A_1, %get3A_4, %dot_general3A {dimension_numbers = #tpu.dot_dimension_numbers<[1], [1], [0], [0], [0, 0, 1, 0], [], []>, transpose_lhs_hint = false} : vector<1024x1024xf32>, vector<2048x1024xf32>, vector<1024x2048xf32> -> vector<1024x2048xf32>
    %get3A_6 = arith.constant 0 : index
    %get3A_7 = arith.constant 0 : index
    %get3A_8 = vector.load %arg4[%get3A_6, %get3A_7] : memref<1024x1xf32, #tpu.memory_space<vmem>>, vector<1024x1xf32>
    %get3A_9 = arith.constant 0 : index
    %get3A_10 = arith.constant 0 : index
    %get3A_11 = vector.load %arg5[%get3A_9, %get3A_10] : memref<1x2048xf32, #tpu.memory_space<vmem>>, vector<1x2048xf32>
    %integer_pow3A = arith.mulf %get3A_8, %get3A_8 : vector<1024x1xf32>
    %integer_pow3A_12 = arith.mulf %get3A_11, %get3A_11 : vector<1x2048xf32>
    %add3A = vector.broadcast %integer_pow3A : vector<1024x1xf32> to vector<1024x2048xf32>
    %add3A_13 = vector.broadcast %integer_pow3A_12 : vector<1x2048xf32> to vector<1024x2048xf32>
    %add3A_14 = arith.addf %add3A, %add3A_13 : vector<1024x2048xf32>
    %mul3A = arith.constant 2.000000e+00 : f32
    %mul3A_15 = vector.broadcast %mul3A : f32 to vector<1024x2048xf32>
    %mul3A_16 = arith.mulf %mul3A_15, %dot_general3A_5 : vector<1024x2048xf32>
    %sub3A = arith.subf %add3A_14, %mul3A_16 : vector<1024x2048xf32>
    %max3A = arith.constant 0.000000e+00 : f32
    %max3A_17 = vector.broadcast %max3A : f32 to vector<1024x2048xf32>
    %max3A_18 = arith.maximumf %sub3A, %max3A_17 : vector<1024x2048xf32>
    %neg3A = arith.constant 0.000000e+00 : f32
    %neg3A_19 = vector.broadcast %neg3A : f32 to vector<1024x2048xf32>
    %neg3A_20 = arith.subf %neg3A_19, %max3A_18 : vector<1024x2048xf32>
    %add3A_21 = vector.broadcast %integer_pow3A : vector<1024x1xf32> to vector<1024x2048xf32>
    %add3A_22 = arith.addf %neg3A_20, %add3A_21 : vector<1024x2048xf32>
    %add3A_23 = vector.broadcast %integer_pow3A_12 : vector<1x2048xf32> to vector<1024x2048xf32>
    %add3A_24 = arith.addf %add3A_22, %add3A_23 : vector<1024x2048xf32>
    %div3A = arith.constant 2.000000e+00 : f32
    %div3A_25 = vector.broadcast %div3A : f32 to vector<1024x2048xf32>
    %div3A_26 = arith.divf %add3A_24, %div3A_25 : vector<1024x2048xf32>
    %mul3A_27 = vector.broadcast %get3A_8 : vector<1024x1xf32> to vector<1024x2048xf32>
    %mul3A_28 = vector.broadcast %get3A_11 : vector<1x2048xf32> to vector<1024x2048xf32>
    %mul3A_29 = arith.mulf %mul3A_27, %mul3A_28 : vector<1024x2048xf32>
    %div3A_30 = arith.divf %div3A_26, %mul3A_29 : vector<1024x2048xf32>
    %sub3A_31 = arith.constant 1.000000e+00 : f32
    %sub3A_32 = vector.broadcast %sub3A_31 : f32 to vector<1024x2048xf32>
    %sub3A_33 = arith.subf %sub3A_32, %div3A_30 : vector<1024x2048xf32>
    %mul3A_34 = arith.constant 1024 : i32
    %mul3A_35 = arith.muli %arg1, %mul3A_34 : i32
    %eq3A = arith.constant 0 : i32
    %eq3A_36 = arith.cmpi eq, %arg0, %eq3A : i32
    %convert_element_type3A = arith.extui %eq3A_36 : i1 to i32
    %cond3A = arith.constant 0 : i32
    %cond3A_37 = arith.cmpi ne, %convert_element_type3A, %cond3A : i32
    scf.if %cond3A_37 {
      %broadcast_in_dim3A_121 = arith.constant 0x7F800000 : f32
      %broadcast_in_dim3A_122 = vector.broadcast %broadcast_in_dim3A_121 : f32 to vector<1024x4xf32>
      %swap3A_123 = arith.index_cast %mul3A_35 : i32 to index
      %swap3A_124 = arith.constant 0 : index
      %swap3A_125 = vector.load %arg7[%swap3A_123, %swap3A_124] : memref<2048x4xf32, #tpu.memory_space<vmem>>, vector<1024x4xf32>
      tpu.vector_store %arg7[%swap3A_123, %swap3A_124], %broadcast_in_dim3A_122 {strides = array<i32>} : memref<2048x4xf32, #tpu.memory_space<vmem>>, vector<1024x4xf32>,
      %broadcast_in_dim3A_126 = arith.constant 0 : i32
      %broadcast_in_dim3A_127 = vector.broadcast %broadcast_in_dim3A_126 : i32 to vector<1024x4xi32>
      %swap3A_128 = arith.index_cast %mul3A_35 : i32 to index
      %swap3A_129 = arith.constant 0 : index
      %swap3A_130 = vector.load %arg8[%swap3A_128, %swap3A_129] : memref<2048x4xi32, #tpu.memory_space<vmem>>, vector<1024x4xi32>
      tpu.vector_store %arg8[%swap3A_128, %swap3A_129], %broadcast_in_dim3A_127 {strides = array<i32>} : memref<2048x4xi32, #tpu.memory_space<vmem>>, vector<1024x4xi32>,
    } else {
    }
    %iota3A = tpu.iota {dimensions = array<i32: 1>} : vector<1024x2048xi32>
    %mul3A_38 = arith.constant 2048 : i32
    %mul3A_39 = arith.muli %arg0, %mul3A_38 : i32
    %add3A_40 = vector.broadcast %mul3A_39 : i32 to vector<1024x2048xi32>
    %add3A_41 = arith.addi %iota3A, %add3A_40 : vector<1024x2048xi32>
    %get3A_42 = arith.index_cast %mul3A_35 : i32 to index
    %get3A_43 = arith.constant 0 : index
    %get3A_44 = vector.load %arg7[%get3A_42, %get3A_43] : memref<2048x4xf32, #tpu.memory_space<vmem>>, vector<1024x4xf32>
    %concatenate3A = tpu.concatenate %get3A_44, %sub3A_33 in 1 : vector<1024x4xf32>, vector<1024x2048xf32> -> vector<1024x2052xf32>
    %get3A_45 = arith.index_cast %mul3A_35 : i32 to index
    %get3A_46 = arith.constant 0 : index
    %get3A_47 = vector.load %arg8[%get3A_45, %get3A_46] : memref<2048x4xi32, #tpu.memory_space<vmem>>, vector<1024x4xi32>
    %concatenate3A_48 = tpu.concatenate %get3A_47, %add3A_41 in 1 : vector<1024x4xi32>, vector<1024x2048xi32> -> vector<1024x2052xi32>
    %reduce_min3A = arith.constant dense<0x7F800000> : vector<1024xf32>
    %reduce_min3A_49 = vector.multi_reduction <minimumf>, %concatenate3A, %reduce_min3A [1] : vector<1024x2052xf32> to vector<1024xf32>
    %broadcast_in_dim3A = vector.shape_cast %reduce_min3A_49 : vector<1024xf32> to vector<1024x1xf32>
    %eq3A_50 = vector.broadcast %broadcast_in_dim3A : vector<1024x1xf32> to vector<1024x2052xf32>
    %eq3A_51 = arith.cmpf oeq, %concatenate3A, %eq3A_50 : vector<1024x2052xf32>
    %jit3A = arith.constant 2147483647 : i32
    %broadcast_in_dim3A_52 = vector.broadcast %jit3A : i32 to vector<1024x2052xi32>
    %select_n3A = arith.select %eq3A_51, %concatenate3A_48, %broadcast_in_dim3A_52 : vector<1024x2052xi1>, vector<1024x2052xi32>
    %reduce_min3A_53 = arith.constant dense<2147483647> : vector<1024xi32>
    %reduce_min3A_54 = vector.multi_reduction <minsi>, %select_n3A, %reduce_min3A_53 [1] : vector<1024x2052xi32> to vector<1024xi32>
    %broadcast_in_dim3A_55 = vector.shape_cast %reduce_min3A_54 : vector<1024xi32> to vector<1024x1xi32>
    %eq3A_56 = vector.broadcast %broadcast_in_dim3A_55 : vector<1024x1xi32> to vector<1024x2052xi32>
    %eq3A_57 = arith.cmpi eq, %concatenate3A_48, %eq3A_56 : vector<1024x2052xi32>
    %jit3A_58 = arith.constant 0x7F800000 : f32
    %broadcast_in_dim3A_59 = vector.broadcast %jit3A_58 : f32 to vector<1024x2052xf32>
    %select_n3A_60 = arith.select %eq3A_57, %broadcast_in_dim3A_59, %concatenate3A : vector<1024x2052xi1>, vector<1024x2052xf32>
    %reduce_min3A_61 = arith.constant dense<0x7F800000> : vector<1024xf32>
    %reduce_min3A_62 = vector.multi_reduction <minimumf>, %select_n3A_60, %reduce_min3A_61 [1] : vector<1024x2052xf32> to vector<1024xf32>
    %broadcast_in_dim3A_63 = vector.shape_cast %reduce_min3A_62 : vector<1024xf32> to vector<1024x1xf32>
    %eq3A_64 = vector.broadcast %broadcast_in_dim3A_63 : vector<1024x1xf32> to vector<1024x2052xf32>
    %eq3A_65 = arith.cmpf oeq, %select_n3A_60, %eq3A_64 : vector<1024x2052xf32>
    %jit3A_66 = arith.constant 2147483647 : i32
    %broadcast_in_dim3A_67 = vector.broadcast %jit3A_66 : i32 to vector<1024x2052xi32>
    %select_n3A_68 = arith.select %eq3A_65, %concatenate3A_48, %broadcast_in_dim3A_67 : vector<1024x2052xi1>, vector<1024x2052xi32>
    %reduce_min3A_69 = arith.constant dense<2147483647> : vector<1024xi32>
    %reduce_min3A_70 = vector.multi_reduction <minsi>, %select_n3A_68, %reduce_min3A_69 [1] : vector<1024x2052xi32> to vector<1024xi32>
    %broadcast_in_dim3A_71 = vector.shape_cast %reduce_min3A_70 : vector<1024xi32> to vector<1024x1xi32>
    %eq3A_72 = vector.broadcast %broadcast_in_dim3A_71 : vector<1024x1xi32> to vector<1024x2052xi32>
    %eq3A_73 = arith.cmpi eq, %concatenate3A_48, %eq3A_72 : vector<1024x2052xi32>
    %jit3A_74 = arith.constant 0x7F800000 : f32
    %broadcast_in_dim3A_75 = vector.broadcast %jit3A_74 : f32 to vector<1024x2052xf32>
    %select_n3A_76 = arith.select %eq3A_73, %broadcast_in_dim3A_75, %select_n3A_60 : vector<1024x2052xi1>, vector<1024x2052xf32>
    %reduce_min3A_77 = arith.constant dense<0x7F800000> : vector<1024xf32>
    %reduce_min3A_78 = vector.multi_reduction <minimumf>, %select_n3A_76, %reduce_min3A_77 [1] : vector<1024x2052xf32> to vector<1024xf32>
    %broadcast_in_dim3A_79 = vector.shape_cast %reduce_min3A_78 : vector<1024xf32> to vector<1024x1xf32>
    %eq3A_80 = vector.broadcast %broadcast_in_dim3A_79 : vector<1024x1xf32> to vector<1024x2052xf32>
    %eq3A_81 = arith.cmpf oeq, %select_n3A_76, %eq3A_80 : vector<1024x2052xf32>
    %jit3A_82 = arith.constant 2147483647 : i32
    %broadcast_in_dim3A_83 = vector.broadcast %jit3A_82 : i32 to vector<1024x2052xi32>
    %select_n3A_84 = arith.select %eq3A_81, %concatenate3A_48, %broadcast_in_dim3A_83 : vector<1024x2052xi1>, vector<1024x2052xi32>
    %reduce_min3A_85 = arith.constant dense<2147483647> : vector<1024xi32>
    %reduce_min3A_86 = vector.multi_reduction <minsi>, %select_n3A_84, %reduce_min3A_85 [1] : vector<1024x2052xi32> to vector<1024xi32>
    %broadcast_in_dim3A_87 = vector.shape_cast %reduce_min3A_86 : vector<1024xi32> to vector<1024x1xi32>
    %eq3A_88 = vector.broadcast %broadcast_in_dim3A_87 : vector<1024x1xi32> to vector<1024x2052xi32>
    %eq3A_89 = arith.cmpi eq, %concatenate3A_48, %eq3A_88 : vector<1024x2052xi32>
    %jit3A_90 = arith.constant 0x7F800000 : f32
    %broadcast_in_dim3A_91 = vector.broadcast %jit3A_90 : f32 to vector<1024x2052xf32>
    %select_n3A_92 = arith.select %eq3A_89, %broadcast_in_dim3A_91, %select_n3A_76 : vector<1024x2052xi1>, vector<1024x2052xf32>
    %reduce_min3A_93 = arith.constant dense<0x7F800000> : vector<1024xf32>
    %reduce_min3A_94 = vector.multi_reduction <minimumf>, %select_n3A_92, %reduce_min3A_93 [1] : vector<1024x2052xf32> to vector<1024xf32>
    %broadcast_in_dim3A_95 = vector.shape_cast %reduce_min3A_94 : vector<1024xf32> to vector<1024x1xf32>
    %eq3A_96 = vector.broadcast %broadcast_in_dim3A_95 : vector<1024x1xf32> to vector<1024x2052xf32>
    %eq3A_97 = arith.cmpf oeq, %select_n3A_92, %eq3A_96 : vector<1024x2052xf32>
    %jit3A_98 = arith.constant 2147483647 : i32
    %broadcast_in_dim3A_99 = vector.broadcast %jit3A_98 : i32 to vector<1024x2052xi32>
    %select_n3A_100 = arith.select %eq3A_97, %concatenate3A_48, %broadcast_in_dim3A_99 : vector<1024x2052xi1>, vector<1024x2052xi32>
    %reduce_min3A_101 = arith.constant dense<2147483647> : vector<1024xi32>
    %reduce_min3A_102 = vector.multi_reduction <minsi>, %select_n3A_100, %reduce_min3A_101 [1] : vector<1024x2052xi32> to vector<1024xi32>
    %broadcast_in_dim3A_103 = vector.shape_cast %reduce_min3A_49 : vector<1024xf32> to vector<1024x1xf32>
    %broadcast_in_dim3A_104 = vector.shape_cast %reduce_min3A_62 : vector<1024xf32> to vector<1024x1xf32>
    %broadcast_in_dim3A_105 = vector.shape_cast %reduce_min3A_78 : vector<1024xf32> to vector<1024x1xf32>
    %broadcast_in_dim3A_106 = vector.shape_cast %reduce_min3A_94 : vector<1024xf32> to vector<1024x1xf32>
    %concatenate3A_107 = tpu.concatenate %broadcast_in_dim3A_103, %broadcast_in_dim3A_104, %broadcast_in_dim3A_105, %broadcast_in_dim3A_106 in 1 : vector<1024x1xf32>, vector<1024x1xf32>, vector<1024x1xf32>, vector<1024x1xf32> -> vector<1024x4xf32>
    %swap3A = arith.index_cast %mul3A_35 : i32 to index
    %swap3A_108 = arith.constant 0 : index
    %swap3A_109 = vector.load %arg7[%swap3A, %swap3A_108] : memref<2048x4xf32, #tpu.memory_space<vmem>>, vector<1024x4xf32>
    tpu.vector_store %arg7[%swap3A, %swap3A_108], %concatenate3A_107 {strides = array<i32>} : memref<2048x4xf32, #tpu.memory_space<vmem>>, vector<1024x4xf32>,
    %broadcast_in_dim3A_110 = vector.shape_cast %reduce_min3A_54 : vector<1024xi32> to vector<1024x1xi32>
    %broadcast_in_dim3A_111 = vector.shape_cast %reduce_min3A_70 : vector<1024xi32> to vector<1024x1xi32>
    %broadcast_in_dim3A_112 = vector.shape_cast %reduce_min3A_86 : vector<1024xi32> to vector<1024x1xi32>
    %broadcast_in_dim3A_113 = vector.shape_cast %reduce_min3A_102 : vector<1024xi32> to vector<1024x1xi32>
    %concatenate3A_114 = tpu.concatenate %broadcast_in_dim3A_110, %broadcast_in_dim3A_111, %broadcast_in_dim3A_112, %broadcast_in_dim3A_113 in 1 : vector<1024x1xi32>, vector<1024x1xi32>, vector<1024x1xi32>, vector<1024x1xi32> -> vector<1024x4xi32>
    %swap3A_115 = arith.index_cast %mul3A_35 : i32 to index
    %swap3A_116 = arith.constant 0 : index
    %swap3A_117 = vector.load %arg8[%swap3A_115, %swap3A_116] : memref<2048x4xi32, #tpu.memory_space<vmem>>, vector<1024x4xi32>
    tpu.vector_store %arg8[%swap3A_115, %swap3A_116], %concatenate3A_114 {strides = array<i32>} : memref<2048x4xi32, #tpu.memory_space<vmem>>, vector<1024x4xi32>,
    %swap3A_118 = arith.constant 0 : index
    %swap3A_119 = arith.constant 0 : index
    %swap3A_120 = vector.load %arg6[%swap3A_118, %swap3A_119] : memref<1024x4xi32, #tpu.memory_space<vmem>>, vector<1024x4xi32>
    tpu.vector_store %arg6[%swap3A_118, %swap3A_119], %concatenate3A_114 {strides = array<i32>} : memref<1024x4xi32, #tpu.memory_space<vmem>>, vector<1024x4xi32>,
    return
  }
  func.func @transform_0(%arg0: i32, %arg1: i32) -> (i32, i32) {
    %c0_i32 = arith.constant 0 : i32
    %c0_i32_0 = arith.constant 0 : i32
    return %arg1, %c0_i32 : i32, i32
  }
  func.func @transform_1(%arg0: i32, %arg1: i32) -> (i32, i32) {
    %c0_i32 = arith.constant 0 : i32
    %c0_i32_0 = arith.constant 0 : i32
    return %arg0, %c0_i32 : i32, i32
  }
  func.func @transform_2(%arg0: i32, %arg1: i32) -> (i32, i32) {
    %c0_i32 = arith.constant 0 : i32
    %c0_i32_0 = arith.constant 0 : i32
    return %arg1, %c0_i32 : i32, i32
  }
  func.func @transform_3(%arg0: i32, %arg1: i32) -> (i32, i32) {
    %c0_i32 = arith.constant 0 : i32
    %c0_i32_0 = arith.constant 0 : i32
    return %c0_i32, %arg0 : i32, i32
  }
  func.func @transform_4(%arg0: i32, %arg1: i32) -> (i32, i32) {
    %c0_i32 = arith.constant 0 : i32
    %c0_i32_0 = arith.constant 0 : i32
    return %arg1, %c0_i32 : i32, i32
  }
}

</mosaic_0001>

<sc_bundles>
// kernel: kernel.4.cloned.1.call-start
scs
__scs_entry_jumppad:
0x0: {  	(pc) =	sbr.rel $0x88, $3  }
0x1: {  	(tag) =	ssettag $0x0;
	lr =	simm.s32 $0x1  }
0x2: {  	[smem:$0x3F9F] =	sst lr;
	_ =	strace $0xD0000000  }
0x3: {  	_ = 	snop  }
0x4: {  	_ = 	snop  }
0x5: {  	_ = 	snop  }
0x6: {  	_ = 	snop  }
0x7: {  	_ = 	snop  }
__scs_overlays_trampoline_lowered:
0x8: {  	[smem:$0x3FAE] =	sst s0  }
0x9: {  	[smem:$0x3FAF] =	sst s1  }
0xa: {  	[smem:$0x3FB0] =	sst s2  }
0xb: {  	[smem:$0x3FB1] =	sst s3  }
0xc: {  	[smem:$0x3FB2] =	sst s4  }
0xd: {  	[smem:$0x3FB3] =	sst s5  }
0xe: {  	[smem:$0x3FB4] =	sst s6  }
0xf: {  	[smem:$0x3FB5] =	sst s7  }
0x10: {  	[smem:$0x3FB6] =	sst s8  }
0x11: {  	[smem:$0x3FB7] =	sst s9;
	s0 =	simm.s32 @!p0 $0x0  }
0x12: {  	s1 =	sld [smem:$0x3F9D];
	s0 =	simm.s32 @p0 $0x1  }
0x13: {  	[smem:$0x3FB8] =	sst s0;
	s0 =	simm.s32 @!p1 $0x0  }
0x14: {  	s2 =	sld [smem:$0x3F9C];
	s0 =	simm.s32 @p1 $0x1  }
0x15: {  	[smem:$0x3FB9] =	sst s0;
	s0 =	simm.s32 @!p2 $0x0  }
0x16: {  	s3 =	sld [smem:$0x3FDB];
	s0 =	simm.s32 @p2 $0x1  }
0x17: {  	s4 =	simm.s32 $0x1BF5;
	[smem:$0x3FBB] =	sst s0  }
0x18: {  	s0 =	sld [smem:$0x3F9E];
	_ =	swait.ge [sflag:s4], $0x0  }
0x19: {  	s7 =	sld [smem:$0x3F9F]  }
0x1a: {  	s8 =	sadd.s32 $0xFFFFE003, lr  }
0x1b: {  	s9 =	sadd.s32 $0xFFFFFEF7, lr;
	s5 =	simm.s32 $0xFFFFFFFF;
	p2 =	slt.u32 s8, $0xFFFFF086  }
0x1c: {  	p1 =	slt.u32 s9, $0xF7A;
	s5 =	simm.s32 @!p2 $0x0  }
0x1d: {  	s5 =	simm.s32 @p1 $0x1;
	p0 =	seq.s32 s7, s2  }
0x1e: {  	s7 =	smul.u32 @!p0 $0xF7A, s2;
	p2 =	seq.s32 @!p0 s5, $0x0  }
0x1f: {  	s9 =	smul.u32 $0xF7A, s1;
	s8 =	simm.s32 @!p0 $0x1BF5;
	p2 =	por !p2, p0  }
0x20: {  	[sflag:s8] =	ssyncset.s32 @!p0 $0xFFFFF086;
	s6 =	sadd.s32 @!p0 s3, s7;
	s7 =	simm.s32 @!p0 $0x108  }
0x21: {  	s3 =	sadd.s32 s3, s9;
	s6 =	sadd.s32 @!p0 $0x88, s6;
	s7 =	simm.s32 @p2 $0x1082  }
0x22: {  	[simem:s7], [sflag:s8] =	dma.local @!p0 [hbm:s6], $0xF7A  }
0x23: {  	s9 =	sor.u32 $0xD0000000, s2;
	s6 =	simm.s32 $0x108;
	_ =	swait.ge @!p0 [sflag:s8], $0x0  }
0x24: {  	s3 =	sadd.s32 $0x88, s3;
	s6 =	simm.s32 @!p1 $0x1082;
	[sflag:s4] =	ssyncset.s32 $0xFFFFF086  }
0x25: {  	[simem:s6], [sflag:s4] =	dma.local [hbm:s3], $0xF7A  }
0x26: {  	[smem:$0x3F9F] =	sst s1;
	(tag) =	ssettag s2;
	_ =	strace s9  }
0x27: {  	s1 =	sld [smem:$0x3FAF]  }
0x28: {  	s2 =	sld [smem:$0x3FB0]  }
0x29: {  	s4 =	sld [smem:$0x3FB2]  }
0x2a: {  	p0 =	seq.s32 s5, $0x0;
	s5 =	sld [smem:$0x3FB3]  }
0x2b: {  	s6 =	sld [smem:$0x3FB4]  }
0x2c: {  	s7 =	sld [smem:$0x3FB5]  }
0x2d: {  	s3 =	simm.s32 $0x108;
	s8 =	sld [smem:$0x3FB6]  }
0x2e: {  	s3 =	simm.s32 @!p0 $0x1082;
	s9 =	sld [smem:$0x3FB7]  }
0x2f: {  	lr =	sadd.s32 s0, s3;
	s0 =	sld [smem:$0x3FAE]  }
0x30: {  	s3 =	sld [smem:$0x3FB1]  }
0x31: {  	[smem:$0x3FBA] =	sst s10  }
0x32: {  	s10 =	sld [smem:$0x3FB8];
	_ =	sdelay $0x3  }
0x33: {  	p0 =	seq.s32 s10, $0x1;
	s10 =	sld [smem:$0x3FBA];
	_ =	sdelay $0x3  }
0x34: {  	[smem:$0x3FBA] =	sst s10  }
0x35: {  	s10 =	sld [smem:$0x3FB9];
	_ =	sdelay $0x3  }
0x36: {  	p1 =	seq.s32 s10, $0x1;
	s10 =	sld [smem:$0x3FBA];
	_ =	sdelay $0x3  }
0x37: {  	[smem:$0x3FBA] =	sst s10  }
0x38: {  	s10 =	sld [smem:$0x3FBB]  }
0x39: {  	_ = 	snop;
	(pc) =	sbr.ind lr, $3  }
0x3a: {  	_ = 	snop  }
0x3b: {  	_ = 	snop  }
0x3c: {  	p2 =	seq.s32 s10, $0x1;
	s10 =	sld [smem:$0x3FBA]  }
0x3d: {  	_ =	shalt  }
0x3e: {  	_ =	shalt  }
0x3f: {  	_ =	shalt  }
0x40: {  	_ =	shalt  }
0x41: {  	_ =	shalt  }
0x42: {  	_ =	shalt  }
0x43: {  	_ =	shalt  }
0x44: {  	_ =	shalt  }
0x45: {  	_ =	shalt  }
0x46: {  	_ =	shalt  }
0x47: {  	_ =	shalt  }
0x48: {  	_ =	shalt  }
0x49: {  	_ =	shalt  }
0x4a: {  	_ =	shalt  }
0x4b: {  	_ =	shalt  }
0x4c: {  	_ =	shalt  }
0x4d: {  	_ =	shalt  }
0x4e: {  	_ =	shalt  }
0x4f: {  	_ =	shalt  }
0x50: {  	_ =	shalt  }
0x51: {  	_ =	shalt  }
0x52: {  	_ =	shalt  }
0x53: {  	_ =	shalt  }
0x54: {  	_ =	shalt  }
0x55: {  	_ =	shalt  }
0x56: {  	_ =	shalt  }
0x57: {  	_ =	shalt  }
0x58: {  	_ =	shalt  }
0x59: {  	_ =	shalt  }
0x5a: {  	_ =	shalt  }
0x5b: {  	_ =	shalt  }
0x5c: {  	_ =	shalt  }
0x5d: {  	_ =	shalt  }
0x5e: {  	_ =	shalt  }
0x5f: {  	_ =	shalt  }
0x60: {  	_ =	shalt  }
0x61: {  	_ =	shalt  }
0x62: {  	_ =	shalt  }
0x63: {  	_ =	shalt  }
0x64: {  	_ =	shalt  }
0x65: {  	_ =	shalt  }
0x66: {  	_ =	shalt  }
0x67: {  	_ =	shalt  }
0x68: {  	_ =	shalt  }
0x69: {  	_ =	shalt  }
0x6a: {  	_ =	shalt  }
0x6b: {  	_ =	shalt  }
0x6c: {  	_ =	shalt  }
0x6d: {  	_ =	shalt  }
0x6e: {  	_ =	shalt  }
0x6f: {  	_ =	shalt  }
0x70: {  	_ =	shalt  }
0x71: {  	_ =	shalt  }
0x72: {  	_ =	shalt  }
0x73: {  	_ =	shalt  }
0x74: {  	_ =	shalt  }
0x75: {  	_ =	shalt  }
0x76: {  	_ =	shalt  }
0x77: {  	_ =	shalt  }
0x78: {  	_ =	shalt  }
0x79: {  	_ =	shalt  }
0x7a: {  	_ =	shalt  }
0x7b: {  	_ =	shalt  }
0x7c: {  	_ =	shalt  }
0x7d: {  	_ =	shalt  }
0x7e: {  	_ =	shalt  }
0x7f: {  	_ =	shalt  }
0x80: {  	_ =	shalt  }
0x81: {  	_ =	shalt  }
0x82: {  	_ =	shalt  }
0x83: {  	_ =	shalt  }
0x84: {  	_ =	shalt  }
0x85: {  	_ =	shalt  }
0x86: {  	_ =	shalt  }
0x87: {  	_ =	shalt  }
.Lfunc_end0:
.L_simem_size_0:
called_computation_lowered:
.L_overlay_start_0:
0x88: {  	s2 =	sld [smem:$0x3FD9]  }
0x89: {  	s3 =	sld [smem:$0x3FFE];
	_ =	sdelay $0x1  }
0x8a: {  	s1 =	srdreg.scid  }
0x8b: {  	s0 =	sand.u32 $0x1, s1  }
0x8c: {  	s17 =	sshll.u32 s0, $0xA;
	s2 =	sadd.s32 s3, s2  }
0x8d: {  	s2 =	sadd.s32 s2, s17  }
0x8e: {  	[smem:$0x3FC6] =	sst s2  }
0x8f: {  	_ = 	snop  }
0x90: {  	s2 =	sld [smem:$0x3FC8]  }
0x91: {  	s18 =	sld [smem:$0x3FD0];
	(tm) =	ssettm $0x1  }
0x92: {  	s4 =	sld [smem:$0x3FFB];
	_ =	sdelay $0x3  }
0x93: {  	_ =	strace s4  }
0x94: {  	s4 =	sld [smem:$0x3FFC];
	_ =	sdelay $0x3  }
0x95: {  	_ =	strace s4  }
0x96: {  	s4 =	sld [smem:$0x3FFD];
	_ =	sdelay $0x3  }
0x97: {  	_ =	strace s4  }
0x98: {  	_ =	strace $0x8FFFFFFF  }
0x99: {  	s19 =	sld [smem:$0x3FDB];
	_ =	sdelay $0x1  }
0x9a: {  	s5 =	simm.s32 $_scs_section_size  }
0x9b: {  	s6 =	simm.s32 $_size__tile_overlayer_lowered;
	s7 =	simm.s32 $_tile_overlayer_lowered  }
0x9c: {  	s22 =	simm.s32 $0x1BFF;
	s21 =	sshll.u32 s7, $0x1;
	s4 =	sadd.s32 s5, s19  }
0x9d: {  	s8 =	simm.s32 $0x0;
	s20 =	sshll.u32 s6, $0x1;
	s6 =	sadd.s32 s21, s4  }
0x9e: {  	[timem:s8], [sflag:s22] =	dma.local [hbm:s6], s20  }
0x9f: {  	_ =	swait.ge [sflag:s22], s20  }
0xa0: {  	s5 =	ssub.s32 $0x0, s20;
	[sflag:s22] =	ssyncset.done $0x0  }
0xa1: {  	[sflag:s22] =	ssyncadd.s32 s5;
	_ =	sdelay $0x1  }
0xa2: {  	s23 =	simm.s32 $0x1B8B  }
0xa3: {  	_ =	swait.ge [sflag:s23], $0x1  }
0xa4: {  	[sflag:s23] =	ssyncset.done $0x0  }
0xa5: {  	s25 =	simm.s32 $0x1B8E;
	s24 =	sld [smem:$0x3FFE];
	[sflag:s23] =	ssyncadd.s32 $0xFFFFFFFF  }
0xa6: {  	s26 =	simm.s32 $execute0_lowered;
	[smem:$0x3FD2] =	sst s25  }
0xa7: {  	s6 =	sshll.u32 s26, $0x1;
	_ =	strace $0x80000046;
	[dreg:$0x1] =	wrdreg $0xFFFFFFFF  }
0xa8: {  	s28 =	simm.s32 $_size_execute0_lowered;
	s4 =	sadd.s32 s4, s6;
	[dreg:$0x0] =	wrdreg $0x0  }
0xa9: {  	s6 =	sshll.u32 s28, $0x1;
	[dreg:$0x2] =	wrdreg s4  }
0xaa: {  	[dreg:$0x3] =	wrdreg s6  }
0xab: {  	[dreg:$0x4] =	wrdreg $0xC0  }
0xac: {  	_ =	task [dreg:s8], $0x5FFFF  }
0xad: {  	[dreg:$0x1] =	wrdreg $0xFFFFFFFF  }
0xae: {  	[dreg:$0x0] =	wrdreg $0x60  }
0xaf: {  	[dreg:$0x2] =	wrdreg s2  }
0xb0: {  	[dreg:$0x3] =	wrdreg s24  }
0xb1: {  	[dreg:$0x4] =	wrdreg s18  }
0xb2: {  	[dreg:$0x5] =	wrdreg $0x9  }
0xb3: {  	_ =	task.clear_ibuf [dreg:s8], $0x6FFFF;
	_ =	strace $0x90000046  }
0xb4: {  	s29 =	simm.s32 $0x9;
	_ =	strace $0x80000048  }
0xb5: {  	_ =	swait.ge [sflag:s29], $0x1  }
0xb6: {  	[sflag:s29] =	ssyncadd.s32 $0xFFFFFFFF  }
0xb7: {  	_ =	strace $0x90000048  }
0xb8: {  	_ =	sfence  }
0xb9: {  	s30 =	sld [smem:$0x0];
	_ =	sdelay $0x2  }
0xba: {  	s31 =	sshll.u32 s1, $0xD;
	s1 =	sshrl.u32 s1, $0x2  }
0xbb: {  	s3 =	sand.u32 $0x4000, s31;
	s1 =	sadd.s32 s1, s30  }
0xbc: {  	s0 =	sor.u32 s3, s0;
	s1 =	sshll.u32 s1, $0x11  }
0xbd: {  	s0 =	sor.u32 s1, s0  }
0xbe: {  	s0 =	sadd.s32 $0x8F2B, s0  }
0xbf: {  	[sflag:s0] =	ssyncadd.remote.s32 $0x1  }
0xc0: {  	_ =	sfence.sel $0xFFFF  }
0xc1: {  	[dreg:$0x0] =	wrdreg $0xFFFFFFFF;
	(pc) =	sbr.abs _section_cstart, $3  }
0xc2: {  	[dreg:$0x1] =	wrdreg $0xFFFFFFFF  }
0xc3: {  	_ =	task.clear_ibuf [dreg:s8], $0x2FFFF;
	_ =	strace $0x9FFFFFFF  }
0xc4: {  	(tm) =	ssettm $0x7FFFFFFF  }
0xc5: {  	_ =	shalt  }
tec
execute0_lowered:
.L_overlay_start_1:
0x0: {  	(tag) =	ssettag $0x1  }
0x1: {  	s2 =	rddreg [dreg:$0x0]  }
0x2: {  	s0 =	rddreg [dreg:$0x1]  }
0x3: {  	s1 =	rddreg [dreg:$0x2];
	s3 =	srdreg.scid  }
0x4: {  	s5 =	stileid.u32;
	s17 =	simm.s32 $0x3;
	s15 =	simm.s32 $0xB100  }
0x5: {  	s16 =	simm.s32 $0xB900;
	s4 =	sand.u32 $0x1, s3;
	s5 =	sshll.u32 s5, $0x1  }
0x6: {  	s8 =	simm.s32 $0xC100;
	s18 =	simm.s32 $0xC900;
	s6 =	sor.u32 s4, s5  }
0x7: {  	s3 =	simm.s32 $0x0;
	s4 =	ssub.s32 $0x2, s4;
	s5 =	sshll.u32 s6, $0x5  }
0x8: {  	[smem:$0x7FF] =	sst s3;
	s7 =	sshrl.u32 s4, $0x1;
	s0 =	sadd.s32 s5, s0  }
0x9: {  	_ =	strace $0x80000047;
	s4 =	ssub.s32 s4, s7;
	s0 =	sadd.s32 $0x200, s0  }
0xa: {  	s22 =	sshll.u32 s6, $0xD;
	s31 =	smax.u32 s4, $0x1;
	[dreg:$0x4] =	wrdreg s0  }
0xb: {  	s19 =	simm.s32 $0xD100;
	s0 =	sadd.s32 s1, s22;
	[dreg:$0xd] =	wrdreg s31  }
0xc: {  	s20 =	simm.s32 $0xD900;
	s1 =	sadd.s32 $0x400, s0;
	[dreg:$0x5] =	wrdreg s0  }
0xd: {  	s21 =	simm.s32 $0xE100;
	s23 =	sadd.s32 $0x800, s0;
	[dreg:$0x6] =	wrdreg s1  }
0xe: {  	s28 =	simm.s32 $0x2;
	s24 =	sadd.s32 $0xC00, s0;
	[dreg:$0x7] =	wrdreg s23  }
0xf: {  	s29 =	simm.s32 $0x0;
	s25 =	sadd.s32 $0x1000, s0;
	[dreg:$0x8] =	wrdreg s24  }
0x10: {  	s6 =	sadd.s32 $0x200, s2;
	s26 =	sadd.s32 $0x1400, s0;
	[dreg:$0x9] =	wrdreg s25  }
0x11: {  	s5 =	sadd.s32 $0x100, s2;
	s30 =	sadd.s32 $0x1800, s0;
	[dreg:$0xa] =	wrdreg s26  }
0x12: {  	v2 =	vlaneseq.u32;
	s7 =	sadd.s32 $0x300, s2;
	s0 =	sadd.s32 $0x1C00, s0;
	[dreg:$0xb] =	wrdreg s30  }
0x13: {  	vm0 =	vmmov $0xffff;
	v1 =	vshrl.u32 v2, $0x3;
	s22 =	simm.s32 $0xE900;
	[dreg:$0xc] =	wrdreg s0;
	s23 =	simm.s32 $0xF100  }
0x14: {  	v0 =	vand.u32 $0x7, v2;
	v2 =	vor.u32 $0x8, v2;
	v1 =	vmul.u32 $0x8, v1;
	s24 =	simm.s32 $0xF900;
	s25 =	simm.s32 $0x1;
	s26 =	simm.s32 $0x10100  }
.LBB2_1:
0x15: {  	s0 =	rddreg [dreg:$0x4]  }
0x16: {  	[tilespmem:s3], [sflag:$0x3] =	stream.linear.gather [hbm4b:s0+s3], $0x100, $0x38;
	[tilespmem:$0x12100] =	vst v63  }
0x17: {  	_ =	swait.ge [sflag:s17], $0x100  }
0x18: {  	[sflag:s17] =	ssyncset.done $0x0  }
0x19: {  	[sflag:s17] =	ssyncadd.s32 $0xFFFFFF00  }
0x1a: {  	v3 =	vld [tilespmem:$0x0];
	_ =	sdelay $0x4  }
0x1b: {  	v4 =	vshll.u32 v3, $0x3  }
0x1c: {  	v3 =	vand.u32 $0x7, v3;
	v4 =	vand.u32 $0xFFFFFFC0, v4  }
0x1d: {  	v3 =	vor.u32 v3, v4  }
0x1e: {  	v4 =	vperm.xlane v3, v0;
	_ =	sdelay $0x1  }
0x1f: {  	v4 =	vadd.s32 v1, v4;
	_ =	sdelay $0x3  }
0x20: {  	s12 =	simm.s32 $0x100  }
0x21: {  	[tilespmem:s12], [sflag:$0x1] =	stream.indirect_vreg.gather [hbm4b:s2+s3], $0x80, v4, vm0, $0xb8;
	[tilespmem:$0x12100] =	vst v63  }
0x22: {  	s13 =	simm.s32 $0x900;
	v3 =	vperm.xlane v3, v2  }
0x23: {  	[tilespmem:s13], [sflag:$0x1] =	stream.indirect_vreg.gather [hbm4b:s5+s3], $0x80, v4, vm0, $0xb8;
	[tilespmem:$0x12100] =	vst v63  }
0x24: {  	s14 =	simm.s32 $0x1100;
	v3 =	vadd.s32 v1, v3  }
0x25: {  	[tilespmem:s14], [sflag:$0x1] =	stream.indirect_vreg.gather [hbm4b:s6+s3], $0x80, v4, vm0, $0xb8;
	[tilespmem:$0x12100] =	vst v63  }
0x26: {  	s31 =	simm.s32 $0x1900  }
0x27: {  	[tilespmem:s31], [sflag:$0x1] =	stream.indirect_vreg.gather [hbm4b:s7+s3], $0x80, v4, vm0, $0xb8;
	[tilespmem:$0x12100] =	vst v63  }
0x28: {  	s1 =	simm.s32 $0x2100  }
0x29: {  	[tilespmem:s1], [sflag:$0x1] =	stream.indirect_vreg.gather [hbm4b:s2+s3], $0x80, v3, vm0, $0xb8;
	[tilespmem:$0x12100] =	vst v63  }
0x2a: {  	s4 =	simm.s32 $0x2900  }
0x2b: {  	[tilespmem:s4], [sflag:$0x1] =	stream.indirect_vreg.gather [hbm4b:s5+s3], $0x80, v3, vm0, $0xb8;
	[tilespmem:$0x12100] =	vst v63  }
0x2c: {  	s9 =	simm.s32 $0x3100  }
0x2d: {  	[tilespmem:s9], [sflag:$0x1] =	stream.indirect_vreg.gather [hbm4b:s6+s3], $0x80, v3, vm0, $0xb8;
	[tilespmem:$0x12100] =	vst v63  }
0x2e: {  	s10 =	simm.s32 $0x3900  }
0x2f: {  	[tilespmem:s10], [sflag:$0x1] =	stream.indirect_vreg.gather [hbm4b:s7+s3], $0x80, v3, vm0, $0xb8;
	[tilespmem:$0x12100] =	vst v63  }
0x30: {  	v3 =	vld [tilespmem:$0x10];
	_ =	sdelay $0x4  }
0x31: {  	v61 =	vshll.u32 v3, $0x3  }
0x32: {  	v3 =	vand.u32 $0x7, v3;
	v4 =	vand.u32 $0xFFFFFFC0, v61  }
0x33: {  	v3 =	vor.u32 v3, v4  }
0x34: {  	v4 =	vperm.xlane v3, v0;
	_ =	sdelay $0x1  }
0x35: {  	v4 =	vadd.s32 v1, v4;
	_ =	sdelay $0x3  }
0x36: {  	s11 =	simm.s32 $0x4100  }
0x37: {  	[tilespmem:s11], [sflag:$0x1] =	stream.indirect_vreg.gather [hbm4b:s2+s3], $0x80, v4, vm0, $0xb8;
	[tilespmem:$0x12100] =	vst v63  }
0x38: {  	s12 =	simm.s32 $0x4900;
	v3 =	vperm.xlane v3, v2  }
0x39: {  	[tilespmem:s12], [sflag:$0x1] =	stream.indirect_vreg.gather [hbm4b:s5+s3], $0x80, v4, vm0, $0xb8;
	[tilespmem:$0x12100] =	vst v63  }
0x3a: {  	s13 =	simm.s32 $0x5100;
	v3 =	vadd.s32 v1, v3  }
0x3b: {  	[tilespmem:s13], [sflag:$0x1] =	stream.indirect_vreg.gather [hbm4b:s6+s3], $0x80, v4, vm0, $0xb8;
	[tilespmem:$0x12100] =	vst v63  }
0x3c: {  	s14 =	simm.s32 $0x5900  }
0x3d: {  	[tilespmem:s14], [sflag:$0x1] =	stream.indirect_vreg.gather [hbm4b:s7+s3], $0x80, v4, vm0, $0xb8;
	[tilespmem:$0x12100] =	vst v63  }
0x3e: {  	s31 =	simm.s32 $0x6100  }
0x3f: {  	[tilespmem:s31], [sflag:$0x1] =	stream.indirect_vreg.gather [hbm4b:s2+s3], $0x80, v3, vm0, $0xb8;
	[tilespmem:$0x12100] =	vst v63  }
0x40: {  	s1 =	simm.s32 $0x6900  }
0x41: {  	[tilespmem:s1], [sflag:$0x1] =	stream.indirect_vreg.gather [hbm4b:s5+s3], $0x80, v3, vm0, $0xb8;
	[tilespmem:$0x12100] =	vst v63  }
0x42: {  	s4 =	simm.s32 $0x7100  }
0x43: {  	[tilespmem:s4], [sflag:$0x1] =	stream.indirect_vreg.gather [hbm4b:s6+s3], $0x80, v3, vm0, $0xb8;
	[tilespmem:$0x12100] =	vst v63  }
0x44: {  	s9 =	simm.s32 $0x7900  }
0x45: {  	[tilespmem:s9], [sflag:$0x1] =	stream.indirect_vreg.gather [hbm4b:s7+s3], $0x80, v3, vm0, $0xb8;
	[tilespmem:$0x12100] =	vst v63  }
0x46: {  	v3 =	vld [tilespmem:$0x20];
	_ =	sdelay $0x4  }
0x47: {  	v62 =	vshll.u32 v3, $0x3  }
0x48: {  	v3 =	vand.u32 $0x7, v3;
	v4 =	vand.u32 $0xFFFFFFC0, v62  }
0x49: {  	v3 =	vor.u32 v3, v4  }
0x4a: {  	v4 =	vperm.xlane v3, v0;
	_ =	sdelay $0x1  }
0x4b: {  	v4 =	vadd.s32 v1, v4;
	_ =	sdelay $0x3  }
0x4c: {  	s10 =	simm.s32 $0x8100  }
0x4d: {  	[tilespmem:s10], [sflag:$0x2] =	stream.indirect_vreg.gather [hbm4b:s2+s3], $0x80, v4, vm0, $0xb8;
	[tilespmem:$0x12100] =	vst v63  }
0x4e: {  	s11 =	simm.s32 $0x8900;
	v3 =	vperm.xlane v3, v2  }
0x4f: {  	[tilespmem:s11], [sflag:$0x2] =	stream.indirect_vreg.gather [hbm4b:s5+s3], $0x80, v4, vm0, $0xb8;
	[tilespmem:$0x12100] =	vst v63  }
0x50: {  	s12 =	simm.s32 $0x9100;
	v3 =	vadd.s32 v1, v3  }
0x51: {  	[tilespmem:s12], [sflag:$0x2] =	stream.indirect_vreg.gather [hbm4b:s6+s3], $0x80, v4, vm0, $0xb8;
	[tilespmem:$0x12100] =	vst v63  }
0x52: {  	s13 =	simm.s32 $0x9900  }
0x53: {  	[tilespmem:s13], [sflag:$0x2] =	stream.indirect_vreg.gather [hbm4b:s7+s3], $0x80, v4, vm0, $0xb8;
	[tilespmem:$0x12100] =	vst v63  }
0x54: {  	s14 =	simm.s32 $0xA100  }
0x55: {  	[tilespmem:s14], [sflag:$0x2] =	stream.indirect_vreg.gather [hbm4b:s2+s3], $0x80, v3, vm0, $0xb8;
	[tilespmem:$0x12100] =	vst v63  }
0x56: {  	s31 =	simm.s32 $0xA900  }
0x57: {  	[tilespmem:s31], [sflag:$0x2] =	stream.indirect_vreg.gather [hbm4b:s5+s3], $0x80, v3, vm0, $0xb8;
	[tilespmem:$0x12100] =	vst v63  }
0x58: {  	_ = 	snop  }
0x59: {  	[tilespmem:s15], [sflag:$0x2] =	stream.indirect_vreg.gather [hbm4b:s6+s3], $0x80, v3, vm0, $0xb8;
	[tilespmem:$0x12100] =	vst v63  }
0x5a: {  	_ = 	snop  }
0x5b: {  	[tilespmem:s16], [sflag:$0x2] =	stream.indirect_vreg.gather [hbm4b:s7+s3], $0x80, v3, vm0, $0xb8;
	[tilespmem:$0x12100] =	vst v63  }
0x5c: {  	v3 =	vld [tilespmem:$0x30];
	_ =	sdelay $0x4  }
0x5d: {  	v63 =	vshll.u32 v3, $0x3  }
0x5e: {  	v3 =	vand.u32 $0x7, v3;
	v4 =	vand.u32 $0xFFFFFFC0, v63  }
0x5f: {  	v3 =	vor.u32 v3, v4  }
0x60: {  	v4 =	vperm.xlane v3, v0;
	_ =	sdelay $0x1  }
0x61: {  	v4 =	vadd.s32 v1, v4;
	_ =	sdelay $0x4  }
0x62: {  	[tilespmem:s8], [sflag:$0x2] =	stream.indirect_vreg.gather [hbm4b:s2+s3], $0x80, v4, vm0, $0xb8;
	[tilespmem:$0x12100] =	vst v63  }
0x63: {  	v3 =	vperm.xlane v3, v2  }
0x64: {  	[tilespmem:s18], [sflag:$0x2] =	stream.indirect_vreg.gather [hbm4b:s5+s3], $0x80, v4, vm0, $0xb8;
	[tilespmem:$0x12100] =	vst v63  }
0x65: {  	v3 =	vadd.s32 v1, v3  }
0x66: {  	[tilespmem:s19], [sflag:$0x2] =	stream.indirect_vreg.gather [hbm4b:s6+s3], $0x80, v4, vm0, $0xb8;
	[tilespmem:$0x12100] =	vst v63  }
0x67: {  	_ = 	snop  }
0x68: {  	[tilespmem:s20], [sflag:$0x2] =	stream.indirect_vreg.gather [hbm4b:s7+s3], $0x80, v4, vm0, $0xb8;
	[tilespmem:$0x12100] =	vst v63  }
0x69: {  	_ = 	snop  }
0x6a: {  	[tilespmem:s21], [sflag:$0x2] =	stream.indirect_vreg.gather [hbm4b:s2+s3], $0x80, v3, vm0, $0xb8;
	[tilespmem:$0x12100] =	vst v63  }
0x6b: {  	_ = 	snop  }
0x6c: {  	[tilespmem:s22], [sflag:$0x2] =	stream.indirect_vreg.gather [hbm4b:s5+s3], $0x80, v3, vm0, $0xb8;
	[tilespmem:$0x12100] =	vst v63  }
0x6d: {  	_ = 	snop  }
0x6e: {  	[tilespmem:s23], [sflag:$0x2] =	stream.indirect_vreg.gather [hbm4b:s6+s3], $0x80, v3, vm0, $0xb8;
	[tilespmem:$0x12100] =	vst v63  }
0x6f: {  	_ = 	snop  }
0x70: {  	[tilespmem:s24], [sflag:$0x2] =	stream.indirect_vreg.gather [hbm4b:s7+s3], $0x80, v3, vm0, $0xb8;
	[tilespmem:$0x12100] =	vst v63  }
0x71: {  	_ =	swait.ge [sflag:s25], $0x8000  }
0x72: {  	[sflag:s25] =	ssyncset.done $0x0  }
0x73: {  	s30 =	simm.s32 $0x0;
	[sflag:s25] =	ssyncadd.s32 $0xFFFF8000  }
.LBB2_2:
0x74: {  	s0 =	sshll.u32 s30, $0x9;
	s1 =	sshll.u32 s30, $0xC  }
0x75: {  	s1 =	sand.u32 $0x6000, s1;
	s4 =	sand.u32 $0x200, s0  }
0x76: {  	s13 =	simm.s32 $0x0;
	s1 =	sor.u32 s4, s1  }
0x77: {  	s9 =	sand.u32 $0x1C00, s13;
	s31 =	sor.u32 $0x100, s1  }
0x78: {  	s12 =	sand.u32 $0x70, s13;
	s1 =	sadd.s32 s9, s31  }
0x79: {  	s1 =	sadd.s32 s12, s1  }
0x7a: {  	v3 =	vld [tilespmem:s1+$0x80]  }
0x7b: {  	v4 =	vld [tilespmem:s1+$0x0];
	_ =	sdelay $0x1  }
0x7c: {  	v5 =	vld [tilespmem:s1+$0x100];
	_ =	sdelay $0x1  }
0x7d: {  	v6 =	vld [tilespmem:s1+$0x180]  }
0x7e: {  	v3 =	vadd.f32 v3, v4;
	_ =	sdelay $0x1  }
0x7f: {  	v3 =	vadd.f32 v5, v3;
	_ =	sdelay $0x1  }
0x80: {  	s0 =	sshrl.u32 s0, $0x2;
	v3 =	vadd.f32 v6, v3  }
0x81: {  	s14 =	simm.s32 $0x10;
	s0 =	sadd.s32 $0x10100, s0;
	s4 =	simm.s32 $0x80  }
0x82: {  	s10 =	sand.u32 $0x70, s14;
	s13 =	sadd.s32 s9, s0;
	s1 =	sand.u32 $0x1C00, s4;
	v3 =	vmul.f32 $2.500000000e-01, v3  }
0x83: {  	s9 =	simm.s32 $0x20;
	s12 =	sadd.s32 s12, s13;
	s11 =	sadd.s32 s1, s31  }
.LBB2_3:
0x84: {  	p0 =	sne.s32 s9, $0x3F0;
	s11 =	sadd.s32 s10, s11;
	[tilespmem:s12+$0x0] =	vst v3;
	s12 =	smov.u32 s10  }
0x85: {  	v3 =	vld [tilespmem:s11+$0x80]  }
0x86: {  	v4 =	vld [tilespmem:s11+$0x0];
	_ =	sdelay $0x1  }
0x87: {  	v5 =	vld [tilespmem:s11+$0x100];
	_ =	sdelay $0x1  }
0x88: {  	v6 =	vld [tilespmem:s11+$0x180]  }
0x89: {  	v3 =	vadd.f32 v3, v4;
	_ =	sdelay $0x1  }
0x8a: {  	v3 =	vadd.f32 v5, v3  }
.Ltmp0:
0x8b: {  	(pc) =	sbr.rel @p0 .LBB2_3-.Ltmp0, $4  }
0x8c: {  	v3 =	vadd.f32 v6, v3  }
0x8d: {  	s4 =	sadd.s32 $0x80, s4  }
0x8e: {  	s10 =	sand.u32 $0x70, s9;
	s13 =	sadd.s32 s1, s0;
	s1 =	sand.u32 $0x1C00, s4;
	v3 =	vmul.f32 $2.500000000e-01, v3  }
0x8f: {  	s9 =	sadd.s32 $0x10, s9;
	s12 =	sadd.s32 s12, s13;
	s11 =	sadd.s32 s1, s31  }
0x90: {  	s4 =	sadd.s32 s10, s11;
	[tilespmem:s12+$0x0] =	vst v3  }
0x91: {  	v3 =	vld [tilespmem:s4+$0x80]  }
0x92: {  	v4 =	vld [tilespmem:s4+$0x0];
	_ =	sdelay $0x1  }
0x93: {  	v5 =	vld [tilespmem:s4+$0x100];
	_ =	sdelay $0x1  }
0x94: {  	v6 =	vld [tilespmem:s4+$0x180]  }
0x95: {  	v3 =	vadd.f32 v3, v4;
	_ =	sdelay $0x1  }
0x96: {  	s30 =	sadd.s32 $0x1, s30;
	v3 =	vadd.f32 v5, v3  }
0x97: {  	p0 =	sne.s32 s30, $0x8  }
.Ltmp1:
0x98: {  	v3 =	vadd.f32 v6, v3;
	(pc) =	sbr.rel @p0 .LBB2_2-.Ltmp1, $4  }
0x99: {  	_ = 	snop  }
0x9a: {  	s0 =	sadd.s32 s1, s0;
	v3 =	vmul.f32 $2.500000000e-01, v3  }
0x9b: {  	s0 =	sadd.s32 s10, s0  }
0x9c: {  	[tilespmem:s0+$0x0] =	vst v3  }
0x9d: {  	s30 =	simm.s32 $0x0;
	s0 =	rddreg [dreg:$0x5]  }
0x9e: {  	[hbm4b:s0+s30] =	stream.linear.scatter [tilespmem:s26], [sflag:$0x3], $0x2000, $0x38;
	[tilespmem:$0x12100] =	vst v63  }
0x9f: {  	_ =	swait.ge [sflag:s17], $0x2000  }
0xa0: {  	[sflag:s17] =	ssyncset.done $0x0  }
0xa1: {  	[sflag:s17] =	ssyncadd.s32 $0xFFFFE000  }
0xa2: {  	v3 =	vld [tilespmem:$0x40];
	_ =	sdelay $0x4  }
0xa3: {  	v4 =	vshll.u32 v3, $0x3  }
0xa4: {  	v3 =	vand.u32 $0x7, v3;
	v4 =	vand.u32 $0xFFFFFFC0, v4  }
0xa5: {  	v3 =	vor.u32 v3, v4  }
0xa6: {  	v4 =	vperm.xlane v3, v0;
	_ =	sdelay $0x1  }
0xa7: {  	v4 =	vadd.s32 v1, v4;
	_ =	sdelay $0x3  }
0xa8: {  	s1 =	simm.s32 $0x100  }
0xa9: {  	[tilespmem:s1], [sflag:$0x1] =	stream.indirect_vreg.gather [hbm4b:s2+s30], $0x80, v4, vm0, $0xb8;
	[tilespmem:$0x12100] =	vst v63  }
0xaa: {  	s4 =	simm.s32 $0x900;
	v3 =	vperm.xlane v3, v2  }
0xab: {  	[tilespmem:s4], [sflag:$0x1] =	stream.indirect_vreg.gather [hbm4b:s5+s30], $0x80, v4, vm0, $0xb8;
	[tilespmem:$0x12100] =	vst v63  }
0xac: {  	s9 =	simm.s32 $0x1100;
	v3 =	vadd.s32 v1, v3  }
0xad: {  	[tilespmem:s9], [sflag:$0x1] =	stream.indirect_vreg.gather [hbm4b:s6+s30], $0x80, v4, vm0, $0xb8;
	[tilespmem:$0x12100] =	vst v63  }
0xae: {  	s10 =	simm.s32 $0x1900  }
0xaf: {  	[tilespmem:s10], [sflag:$0x1] =	stream.indirect_vreg.gather [hbm4b:s7+s30], $0x80, v4, vm0, $0xb8;
	[tilespmem:$0x12100] =	vst v63  }
0xb0: {  	s11 =	simm.s32 $0x2100  }
0xb1: {  	[tilespmem:s11], [sflag:$0x1] =	stream.indirect_vreg.gather [hbm4b:s2+s30], $0x80, v3, vm0, $0xb8;
	[tilespmem:$0x12100] =	vst v63  }
0xb2: {  	s12 =	simm.s32 $0x2900  }
0xb3: {  	[tilespmem:s12], [sflag:$0x1] =	stream.indirect_vreg.gather [hbm4b:s5+s30], $0x80, v3, vm0, $0xb8;
	[tilespmem:$0x12100] =	vst v63  }
0xb4: {  	s13 =	simm.s32 $0x3100  }
0xb5: {  	[tilespmem:s13], [sflag:$0x1] =	stream.indirect_vreg.gather [hbm4b:s6+s30], $0x80, v3, vm0, $0xb8;
	[tilespmem:$0x12100] =	vst v63  }
0xb6: {  	s14 =	simm.s32 $0x3900  }
0xb7: {  	[tilespmem:s14], [sflag:$0x1] =	stream.indirect_vreg.gather [hbm4b:s7+s30], $0x80, v3, vm0, $0xb8;
	[tilespmem:$0x12100] =	vst v63  }
0xb8: {  	v3 =	vld [tilespmem:$0x50];
	_ =	sdelay $0x4  }
0xb9: {  	v63 =	vshll.u32 v3, $0x3  }
0xba: {  	v3 =	vand.u32 $0x7, v3;
	v4 =	vand.u32 $0xFFFFFFC0, v63  }
0xbb: {  	v3 =	vor.u32 v3, v4  }
0xbc: {  	v4 =	vperm.xlane v3, v0;
	_ =	sdelay $0x1  }
0xbd: {  	v4 =	vadd.s32 v1, v4;
	_ =	sdelay $0x3  }
0xbe: {  	s1 =	simm.s32 $0x4100  }
0xbf: {  	[tilespmem:s1], [sflag:$0x1] =	stream.indirect_vreg.gather [hbm4b:s2+s30], $0x80, v4, vm0, $0xb8;
	[tilespmem:$0x12100] =	vst v63  }
0xc0: {  	s4 =	simm.s32 $0x4900;
	v3 =	vperm.xlane v3, v2  }
0xc1: {  	[tilespmem:s4], [sflag:$0x1] =	stream.indirect_vreg.gather [hbm4b:s5+s30], $0x80, v4, vm0, $0xb8;
	[tilespmem:$0x12100] =	vst v63  }
0xc2: {  	s9 =	simm.s32 $0x5100;
	v3 =	vadd.s32 v1, v3  }
0xc3: {  	[tilespmem:s9], [sflag:$0x1] =	stream.indirect_vreg.gather [hbm4b:s6+s30], $0x80, v4, vm0, $0xb8;
	[tilespmem:$0x12100] =	vst v63  }
0xc4: {  	s10 =	simm.s32 $0x5900  }
0xc5: {  	[tilespmem:s10], [sflag:$0x1] =	stream.indirect_vreg.gather [hbm4b:s7+s30], $0x80, v4, vm0, $0xb8;
	[tilespmem:$0x12100] =	vst v63  }
0xc6: {  	s11 =	simm.s32 $0x6100  }
0xc7: {  	[tilespmem:s11], [sflag:$0x1] =	stream.indirect_vreg.gather [hbm4b:s2+s30], $0x80, v3, vm0, $0xb8;
	[tilespmem:$0x12100] =	vst v63  }
0xc8: {  	s12 =	simm.s32 $0x6900  }
0xc9: {  	[tilespmem:s12], [sflag:$0x1] =	stream.indirect_vreg.gather [hbm4b:s5+s30], $0x80, v3, vm0, $0xb8;
	[tilespmem:$0x12100] =	vst v63  }
0xca: {  	s13 =	simm.s32 $0x7100  }
0xcb: {  	[tilespmem:s13], [sflag:$0x1] =	stream.indirect_vreg.gather [hbm4b:s6+s30], $0x80, v3, vm0, $0xb8;
	[tilespmem:$0x12100] =	vst v63  }
0xcc: {  	s14 =	simm.s32 $0x7900  }
0xcd: {  	[tilespmem:s14], [sflag:$0x1] =	stream.indirect_vreg.gather [hbm4b:s7+s30], $0x80, v3, vm0, $0xb8;
	[tilespmem:$0x12100] =	vst v63  }
0xce: {  	_ =	swait.ge [sflag:s28], $0x8000  }
0xcf: {  	[sflag:s28] =	ssyncset.done $0x0  }
0xd0: {  	s31 =	simm.s32 $0x0;
	[sflag:s28] =	ssyncadd.s32 $0xFFFF8000  }
.LBB2_6:
0xd1: {  	s1 =	sshll.u32 s31, $0x9;
	s0 =	sshll.u32 s31, $0xC  }
0xd2: {  	s0 =	sand.u32 $0x6000, s0;
	s4 =	sand.u32 $0x200, s1  }
0xd3: {  	s0 =	sor.u32 s4, s0  }
0xd4: {  	s10 =	sand.u32 $0x1C00, s30;
	s0 =	sor.u32 $0x8100, s0  }
0xd5: {  	s13 =	sand.u32 $0x70, s30;
	s12 =	sadd.s32 s10, s0  }
0xd6: {  	s4 =	sadd.s32 s13, s12  }
0xd7: {  	v3 =	vld [tilespmem:s4+$0x80]  }
0xd8: {  	v4 =	vld [tilespmem:s4+$0x0];
	_ =	sdelay $0x1  }
0xd9: {  	v5 =	vld [tilespmem:s4+$0x100];
	_ =	sdelay $0x1  }
0xda: {  	v6 =	vld [tilespmem:s4+$0x180]  }
0xdb: {  	v3 =	vadd.f32 v3, v4;
	_ =	sdelay $0x1  }
0xdc: {  	v3 =	vadd.f32 v5, v3;
	_ =	sdelay $0x1  }
0xdd: {  	s1 =	sshrl.u32 s1, $0x2;
	v3 =	vadd.f32 v6, v3  }
0xde: {  	s14 =	simm.s32 $0x10;
	s9 =	simm.s32 $0x80;
	s1 =	sadd.s32 $0x10100, s1  }
0xdf: {  	s11 =	sand.u32 $0x70, s14;
	s14 =	sadd.s32 s10, s1;
	s4 =	sand.u32 $0x1C00, s9;
	v3 =	vmul.f32 $2.500000000e-01, v3  }
0xe0: {  	s10 =	simm.s32 $0x20;
	s13 =	sadd.s32 s13, s14;
	s12 =	sadd.s32 s4, s0  }
.LBB2_7:
0xe1: {  	p0 =	sne.s32 s10, $0x3F0;
	s12 =	sadd.s32 s11, s12;
	[tilespmem:s13+$0x0] =	vst v3;
	s13 =	smov.u32 s11  }
0xe2: {  	v3 =	vld [tilespmem:s12+$0x80]  }
0xe3: {  	v4 =	vld [tilespmem:s12+$0x0];
	_ =	sdelay $0x1  }
0xe4: {  	v5 =	vld [tilespmem:s12+$0x100];
	_ =	sdelay $0x1  }
0xe5: {  	v6 =	vld [tilespmem:s12+$0x180]  }
0xe6: {  	v3 =	vadd.f32 v3, v4;
	_ =	sdelay $0x1  }
0xe7: {  	v3 =	vadd.f32 v5, v3  }
.Ltmp2:
0xe8: {  	(pc) =	sbr.rel @p0 .LBB2_7-.Ltmp2, $4  }
0xe9: {  	v3 =	vadd.f32 v6, v3  }
0xea: {  	s9 =	sadd.s32 $0x80, s9  }
0xeb: {  	s11 =	sand.u32 $0x70, s10;
	s14 =	sadd.s32 s4, s1;
	s4 =	sand.u32 $0x1C00, s9;
	v3 =	vmul.f32 $2.500000000e-01, v3  }
0xec: {  	s10 =	sadd.s32 $0x10, s10;
	s13 =	sadd.s32 s13, s14;
	s12 =	sadd.s32 s4, s0  }
0xed: {  	s0 =	sadd.s32 s11, s12;
	[tilespmem:s13+$0x0] =	vst v3  }
0xee: {  	v3 =	vld [tilespmem:s0+$0x80]  }
0xef: {  	v4 =	vld [tilespmem:s0+$0x0];
	_ =	sdelay $0x1  }
0xf0: {  	v5 =	vld [tilespmem:s0+$0x100];
	_ =	sdelay $0x1  }
0xf1: {  	v6 =	vld [tilespmem:s0+$0x180]  }
0xf2: {  	v3 =	vadd.f32 v3, v4;
	_ =	sdelay $0x1  }
0xf3: {  	s31 =	sadd.s32 $0x1, s31;
	v3 =	vadd.f32 v5, v3  }
0xf4: {  	p0 =	sne.s32 s31, $0x8  }
.Ltmp3:
0xf5: {  	v3 =	vadd.f32 v6, v3;
	(pc) =	sbr.rel @p0 .LBB2_6-.Ltmp3, $4  }
0xf6: {  	_ = 	snop  }
0xf7: {  	s14 =	sadd.s32 s4, s1;
	v3 =	vmul.f32 $2.500000000e-01, v3  }
0xf8: {  	s0 =	sadd.s32 s11, s14  }
0xf9: {  	[tilespmem:s0+$0x0] =	vst v3  }
0xfa: {  	s30 =	simm.s32 $0x0;
	s0 =	rddreg [dreg:$0x6]  }
0xfb: {  	[hbm4b:s0+s30] =	stream.linear.scatter [tilespmem:s26], [sflag:$0x3], $0x2000, $0x38;
	[tilespmem:$0x12100] =	vst v63  }
0xfc: {  	_ =	swait.ge [sflag:s17], $0x2000  }
0xfd: {  	[sflag:s17] =	ssyncset.done $0x0  }
0xfe: {  	[sflag:s17] =	ssyncadd.s32 $0xFFFFE000  }
0xff: {  	v3 =	vld [tilespmem:$0x60];
	_ =	sdelay $0x4  }
0x100: {  	v4 =	vshll.u32 v3, $0x3  }
0x101: {  	v3 =	vand.u32 $0x7, v3;
	v4 =	vand.u32 $0xFFFFFFC0, v4  }
0x102: {  	v3 =	vor.u32 v3, v4  }
0x103: {  	v4 =	vperm.xlane v3, v0;
	_ =	sdelay $0x1  }
0x104: {  	v4 =	vadd.s32 v1, v4;
	_ =	sdelay $0x3  }
0x105: {  	s9 =	simm.s32 $0x8100  }
0x106: {  	[tilespmem:s9], [sflag:$0x2] =	stream.indirect_vreg.gather [hbm4b:s2+s30], $0x80, v4, vm0, $0xb8;
	[tilespmem:$0x12100] =	vst v63  }
0x107: {  	s10 =	simm.s32 $0x8900;
	v3 =	vperm.xlane v3, v2  }
0x108: {  	[tilespmem:s10], [sflag:$0x2] =	stream.indirect_vreg.gather [hbm4b:s5+s30], $0x80, v4, vm0, $0xb8;
	[tilespmem:$0x12100] =	vst v63  }
0x109: {  	s11 =	simm.s32 $0x9100;
	v3 =	vadd.s32 v1, v3  }
0x10a: {  	[tilespmem:s11], [sflag:$0x2] =	stream.indirect_vreg.gather [hbm4b:s6+s30], $0x80, v4, vm0, $0xb8;
	[tilespmem:$0x12100] =	vst v63  }
0x10b: {  	s12 =	simm.s32 $0x9900  }
0x10c: {  	[tilespmem:s12], [sflag:$0x2] =	stream.indirect_vreg.gather [hbm4b:s7+s30], $0x80, v4, vm0, $0xb8;
	[tilespmem:$0x12100] =	vst v63  }
0x10d: {  	s13 =	simm.s32 $0xA100  }
0x10e: {  	[tilespmem:s13], [sflag:$0x2] =	stream.indirect_vreg.gather [hbm4b:s2+s30], $0x80, v3, vm0, $0xb8;
	[tilespmem:$0x12100] =	vst v63  }
0x10f: {  	s14 =	simm.s32 $0xA900  }
0x110: {  	[tilespmem:s14], [sflag:$0x2] =	stream.indirect_vreg.gather [hbm4b:s5+s30], $0x80, v3, vm0, $0xb8;
	[tilespmem:$0x12100] =	vst v63  }
0x111: {  	_ = 	snop  }
0x112: {  	[tilespmem:s15], [sflag:$0x2] =	stream.indirect_vreg.gather [hbm4b:s6+s30], $0x80, v3, vm0, $0xb8;
	[tilespmem:$0x12100] =	vst v63  }
0x113: {  	_ = 	snop  }
0x114: {  	[tilespmem:s16], [sflag:$0x2] =	stream.indirect_vreg.gather [hbm4b:s7+s30], $0x80, v3, vm0, $0xb8;
	[tilespmem:$0x12100] =	vst v63  }
0x115: {  	v3 =	vld [tilespmem:$0x70];
	_ =	sdelay $0x4  }
0x116: {  	v63 =	vshll.u32 v3, $0x3  }
0x117: {  	v3 =	vand.u32 $0x7, v3;
	v4 =	vand.u32 $0xFFFFFFC0, v63  }
0x118: {  	v3 =	vor.u32 v3, v4  }
0x119: {  	v4 =	vperm.xlane v3, v0;
	_ =	sdelay $0x1  }
0x11a: {  	v4 =	vadd.s32 v1, v4;
	_ =	sdelay $0x4  }
0x11b: {  	[tilespmem:s8], [sflag:$0x2] =	stream.indirect_vreg.gather [hbm4b:s2+s30], $0x80, v4, vm0, $0xb8;
	[tilespmem:$0x12100] =	vst v63  }
0x11c: {  	v3 =	vperm.xlane v3, v2  }
0x11d: {  	[tilespmem:s18], [sflag:$0x2] =	stream.indirect_vreg.gather [hbm4b:s5+s30], $0x80, v4, vm0, $0xb8;
	[tilespmem:$0x12100] =	vst v63  }
0x11e: {  	v3 =	vadd.s32 v1, v3  }
0x11f: {  	[tilespmem:s19], [sflag:$0x2] =	stream.indirect_vreg.gather [hbm4b:s6+s30], $0x80, v4, vm0, $0xb8;
	[tilespmem:$0x12100] =	vst v63  }
0x120: {  	_ = 	snop  }
0x121: {  	[tilespmem:s20], [sflag:$0x2] =	stream.indirect_vreg.gather [hbm4b:s7+s30], $0x80, v4, vm0, $0xb8;
	[tilespmem:$0x12100] =	vst v63  }
0x122: {  	_ = 	snop  }
0x123: {  	[tilespmem:s21], [sflag:$0x2] =	stream.indirect_vreg.gather [hbm4b:s2+s30], $0x80, v3, vm0, $0xb8;
	[tilespmem:$0x12100] =	vst v63  }
0x124: {  	_ = 	snop  }
0x125: {  	[tilespmem:s22], [sflag:$0x2] =	stream.indirect_vreg.gather [hbm4b:s5+s30], $0x80, v3, vm0, $0xb8;
	[tilespmem:$0x12100] =	vst v63  }
0x126: {  	_ = 	snop  }
0x127: {  	[tilespmem:s23], [sflag:$0x2] =	stream.indirect_vreg.gather [hbm4b:s6+s30], $0x80, v3, vm0, $0xb8;
	[tilespmem:$0x12100] =	vst v63  }
0x128: {  	_ = 	snop  }
0x129: {  	[tilespmem:s24], [sflag:$0x2] =	stream.indirect_vreg.gather [hbm4b:s7+s30], $0x80, v3, vm0, $0xb8;
	[tilespmem:$0x12100] =	vst v63  }
0x12a: {  	_ =	swait.ge [sflag:s25], $0x8000  }
0x12b: {  	[sflag:s25] =	ssyncset.done $0x0  }
0x12c: {  	s31 =	simm.s32 $0x0;
	[sflag:s25] =	ssyncadd.s32 $0xFFFF8000  }
.LBB2_10:
0x12d: {  	s1 =	sshll.u32 s31, $0x9;
	s0 =	sshll.u32 s31, $0xC  }
0x12e: {  	s0 =	sand.u32 $0x6000, s0;
	s4 =	sand.u32 $0x200, s1  }
0x12f: {  	s0 =	sor.u32 s4, s0  }
0x130: {  	s10 =	sand.u32 $0x1C00, s30;
	s0 =	sor.u32 $0x100, s0  }
0x131: {  	s13 =	sand.u32 $0x70, s30;
	s12 =	sadd.s32 s10, s0  }
0x132: {  	s4 =	sadd.s32 s13, s12  }
0x133: {  	v3 =	vld [tilespmem:s4+$0x80]  }
0x134: {  	v4 =	vld [tilespmem:s4+$0x0];
	_ =	sdelay $0x1  }
0x135: {  	v5 =	vld [tilespmem:s4+$0x100];
	_ =	sdelay $0x1  }
0x136: {  	v6 =	vld [tilespmem:s4+$0x180]  }
0x137: {  	v3 =	vadd.f32 v3, v4;
	_ =	sdelay $0x1  }
0x138: {  	v3 =	vadd.f32 v5, v3;
	_ =	sdelay $0x1  }
0x139: {  	s1 =	sshrl.u32 s1, $0x2;
	v3 =	vadd.f32 v6, v3  }
0x13a: {  	s14 =	simm.s32 $0x10;
	s9 =	simm.s32 $0x80;
	s1 =	sadd.s32 $0x10100, s1  }
0x13b: {  	s11 =	sand.u32 $0x70, s14;
	s14 =	sadd.s32 s10, s1;
	s4 =	sand.u32 $0x1C00, s9;
	v3 =	vmul.f32 $2.500000000e-01, v3  }
0x13c: {  	s10 =	simm.s32 $0x20;
	s13 =	sadd.s32 s13, s14;
	s12 =	sadd.s32 s4, s0  }
.LBB2_11:
0x13d: {  	p0 =	sne.s32 s10, $0x3F0;
	s12 =	sadd.s32 s11, s12;
	[tilespmem:s13+$0x0] =	vst v3;
	s13 =	smov.u32 s11  }
0x13e: {  	v3 =	vld [tilespmem:s12+$0x80]  }
0x13f: {  	v4 =	vld [tilespmem:s12+$0x0];
	_ =	sdelay $0x1  }
0x140: {  	v5 =	vld [tilespmem:s12+$0x100];
	_ =	sdelay $0x1  }
0x141: {  	v6 =	vld [tilespmem:s12+$0x180]  }
0x142: {  	v3 =	vadd.f32 v3, v4;
	_ =	sdelay $0x1  }
0x143: {  	v3 =	vadd.f32 v5, v3  }
.Ltmp4:
0x144: {  	(pc) =	sbr.rel @p0 .LBB2_11-.Ltmp4, $4  }
0x145: {  	v3 =	vadd.f32 v6, v3  }
0x146: {  	s9 =	sadd.s32 $0x80, s9  }
0x147: {  	s11 =	sand.u32 $0x70, s10;
	s14 =	sadd.s32 s4, s1;
	s4 =	sand.u32 $0x1C00, s9;
	v3 =	vmul.f32 $2.500000000e-01, v3  }
0x148: {  	s10 =	sadd.s32 $0x10, s10;
	s13 =	sadd.s32 s13, s14;
	s12 =	sadd.s32 s4, s0  }
0x149: {  	s0 =	sadd.s32 s11, s12;
	[tilespmem:s13+$0x0] =	vst v3  }
0x14a: {  	v3 =	vld [tilespmem:s0+$0x80]  }
0x14b: {  	v4 =	vld [tilespmem:s0+$0x0];
	_ =	sdelay $0x1  }
0x14c: {  	v5 =	vld [tilespmem:s0+$0x100];
	_ =	sdelay $0x1  }
0x14d: {  	v6 =	vld [tilespmem:s0+$0x180]  }
0x14e: {  	v3 =	vadd.f32 v3, v4;
	_ =	sdelay $0x1  }
0x14f: {  	s31 =	sadd.s32 $0x1, s31;
	v3 =	vadd.f32 v5, v3  }
0x150: {  	p0 =	sne.s32 s31, $0x8  }
.Ltmp5:
0x151: {  	v3 =	vadd.f32 v6, v3;
	(pc) =	sbr.rel @p0 .LBB2_10-.Ltmp5, $4  }
0x152: {  	_ = 	snop  }
0x153: {  	s14 =	sadd.s32 s4, s1;
	v3 =	vmul.f32 $2.500000000e-01, v3  }
0x154: {  	s0 =	sadd.s32 s11, s14  }
0x155: {  	[tilespmem:s0+$0x0] =	vst v3  }
0x156: {  	s30 =	simm.s32 $0x0;
	s0 =	rddreg [dreg:$0x7]  }
0x157: {  	[hbm4b:s0+s30] =	stream.linear.scatter [tilespmem:s26], [sflag:$0x3], $0x2000, $0x38;
	[tilespmem:$0x12100] =	vst v63  }
0x158: {  	_ =	swait.ge [sflag:s17], $0x2000  }
0x159: {  	[sflag:s17] =	ssyncset.done $0x0  }
0x15a: {  	[sflag:s17] =	ssyncadd.s32 $0xFFFFE000  }
0x15b: {  	v3 =	vld [tilespmem:$0x80];
	_ =	sdelay $0x4  }
0x15c: {  	v4 =	vshll.u32 v3, $0x3  }
0x15d: {  	v3 =	vand.u32 $0x7, v3;
	v4 =	vand.u32 $0xFFFFFFC0, v4  }
0x15e: {  	v3 =	vor.u32 v3, v4  }
0x15f: {  	v4 =	vperm.xlane v3, v0;
	_ =	sdelay $0x1  }
0x160: {  	v4 =	vadd.s32 v1, v4;
	_ =	sdelay $0x3  }
0x161: {  	s1 =	simm.s32 $0x100  }
0x162: {  	[tilespmem:s1], [sflag:$0x1] =	stream.indirect_vreg.gather [hbm4b:s2+s30], $0x80, v4, vm0, $0xb8;
	[tilespmem:$0x12100] =	vst v63  }
0x163: {  	s4 =	simm.s32 $0x900;
	v3 =	vperm.xlane v3, v2  }
0x164: {  	[tilespmem:s4], [sflag:$0x1] =	stream.indirect_vreg.gather [hbm4b:s5+s30], $0x80, v4, vm0, $0xb8;
	[tilespmem:$0x12100] =	vst v63  }
0x165: {  	s9 =	simm.s32 $0x1100;
	v3 =	vadd.s32 v1, v3  }
0x166: {  	[tilespmem:s9], [sflag:$0x1] =	stream.indirect_vreg.gather [hbm4b:s6+s30], $0x80, v4, vm0, $0xb8;
	[tilespmem:$0x12100] =	vst v63  }
0x167: {  	s10 =	simm.s32 $0x1900  }
0x168: {  	[tilespmem:s10], [sflag:$0x1] =	stream.indirect_vreg.gather [hbm4b:s7+s30], $0x80, v4, vm0, $0xb8;
	[tilespmem:$0x12100] =	vst v63  }
0x169: {  	s11 =	simm.s32 $0x2100  }
0x16a: {  	[tilespmem:s11], [sflag:$0x1] =	stream.indirect_vreg.gather [hbm4b:s2+s30], $0x80, v3, vm0, $0xb8;
	[tilespmem:$0x12100] =	vst v63  }
0x16b: {  	s12 =	simm.s32 $0x2900  }
0x16c: {  	[tilespmem:s12], [sflag:$0x1] =	stream.indirect_vreg.gather [hbm4b:s5+s30], $0x80, v3, vm0, $0xb8;
	[tilespmem:$0x12100] =	vst v63  }
0x16d: {  	s13 =	simm.s32 $0x3100  }
0x16e: {  	[tilespmem:s13], [sflag:$0x1] =	stream.indirect_vreg.gather [hbm4b:s6+s30], $0x80, v3, vm0, $0xb8;
	[tilespmem:$0x12100] =	vst v63  }
0x16f: {  	s14 =	simm.s32 $0x3900  }
0x170: {  	[tilespmem:s14], [sflag:$0x1] =	stream.indirect_vreg.gather [hbm4b:s7+s30], $0x80, v3, vm0, $0xb8;
	[tilespmem:$0x12100] =	vst v63  }
0x171: {  	v3 =	vld [tilespmem:$0x90];
	_ =	sdelay $0x4  }
0x172: {  	v63 =	vshll.u32 v3, $0x3  }
0x173: {  	v3 =	vand.u32 $0x7, v3;
	v4 =	vand.u32 $0xFFFFFFC0, v63  }
0x174: {  	v3 =	vor.u32 v3, v4  }
0x175: {  	v4 =	vperm.xlane v3, v0;
	_ =	sdelay $0x1  }
0x176: {  	v4 =	vadd.s32 v1, v4;
	_ =	sdelay $0x3  }
0x177: {  	s1 =	simm.s32 $0x4100  }
0x178: {  	[tilespmem:s1], [sflag:$0x1] =	stream.indirect_vreg.gather [hbm4b:s2+s30], $0x80, v4, vm0, $0xb8;
	[tilespmem:$0x12100] =	vst v63  }
0x179: {  	s4 =	simm.s32 $0x4900;
	v3 =	vperm.xlane v3, v2  }
0x17a: {  	[tilespmem:s4], [sflag:$0x1] =	stream.indirect_vreg.gather [hbm4b:s5+s30], $0x80, v4, vm0, $0xb8;
	[tilespmem:$0x12100] =	vst v63  }
0x17b: {  	s9 =	simm.s32 $0x5100;
	v3 =	vadd.s32 v1, v3  }
0x17c: {  	[tilespmem:s9], [sflag:$0x1] =	stream.indirect_vreg.gather [hbm4b:s6+s30], $0x80, v4, vm0, $0xb8;
	[tilespmem:$0x12100] =	vst v63  }
0x17d: {  	s10 =	simm.s32 $0x5900  }
0x17e: {  	[tilespmem:s10], [sflag:$0x1] =	stream.indirect_vreg.gather [hbm4b:s7+s30], $0x80, v4, vm0, $0xb8;
	[tilespmem:$0x12100] =	vst v63  }
0x17f: {  	s11 =	simm.s32 $0x6100  }
0x180: {  	[tilespmem:s11], [sflag:$0x1] =	stream.indirect_vreg.gather [hbm4b:s2+s30], $0x80, v3, vm0, $0xb8;
	[tilespmem:$0x12100] =	vst v63  }
0x181: {  	s12 =	simm.s32 $0x6900  }
0x182: {  	[tilespmem:s12], [sflag:$0x1] =	stream.indirect_vreg.gather [hbm4b:s5+s30], $0x80, v3, vm0, $0xb8;
	[tilespmem:$0x12100] =	vst v63  }
0x183: {  	s13 =	simm.s32 $0x7100  }
0x184: {  	[tilespmem:s13], [sflag:$0x1] =	stream.indirect_vreg.gather [hbm4b:s6+s30], $0x80, v3, vm0, $0xb8;
	[tilespmem:$0x12100] =	vst v63  }
0x185: {  	s14 =	simm.s32 $0x7900  }
0x186: {  	[tilespmem:s14], [sflag:$0x1] =	stream.indirect_vreg.gather [hbm4b:s7+s30], $0x80, v3, vm0, $0xb8;
	[tilespmem:$0x12100] =	vst v63  }
0x187: {  	_ =	swait.ge [sflag:s28], $0x8000  }
0x188: {  	[sflag:s28] =	ssyncset.done $0x0  }
0x189: {  	s31 =	simm.s32 $0x0;
	[sflag:s28] =	ssyncadd.s32 $0xFFFF8000  }
.LBB2_14:
0x18a: {  	s1 =	sshll.u32 s31, $0x9;
	s0 =	sshll.u32 s31, $0xC  }
0x18b: {  	s0 =	sand.u32 $0x6000, s0;
	s4 =	sand.u32 $0x200, s1  }
0x18c: {  	s0 =	sor.u32 s4, s0  }
0x18d: {  	s10 =	sand.u32 $0x1C00, s30;
	s0 =	sor.u32 $0x8100, s0  }
0x18e: {  	s13 =	sand.u32 $0x70, s30;
	s12 =	sadd.s32 s10, s0  }
0x18f: {  	s4 =	sadd.s32 s13, s12  }
0x190: {  	v3 =	vld [tilespmem:s4+$0x80]  }
0x191: {  	v4 =	vld [tilespmem:s4+$0x0];
	_ =	sdelay $0x1  }
0x192: {  	v5 =	vld [tilespmem:s4+$0x100];
	_ =	sdelay $0x1  }
0x193: {  	v6 =	vld [tilespmem:s4+$0x180]  }
0x194: {  	v3 =	vadd.f32 v3, v4;
	_ =	sdelay $0x1  }
0x195: {  	v3 =	vadd.f32 v5, v3;
	_ =	sdelay $0x1  }
0x196: {  	s1 =	sshrl.u32 s1, $0x2;
	v3 =	vadd.f32 v6, v3  }
0x197: {  	s14 =	simm.s32 $0x10;
	s9 =	simm.s32 $0x80;
	s1 =	sadd.s32 $0x10100, s1  }
0x198: {  	s11 =	sand.u32 $0x70, s14;
	s14 =	sadd.s32 s10, s1;
	s4 =	sand.u32 $0x1C00, s9;
	v3 =	vmul.f32 $2.500000000e-01, v3  }
0x199: {  	s10 =	simm.s32 $0x20;
	s13 =	sadd.s32 s13, s14;
	s12 =	sadd.s32 s4, s0  }
.LBB2_15:
0x19a: {  	p0 =	sne.s32 s10, $0x3F0;
	s12 =	sadd.s32 s11, s12;
	[tilespmem:s13+$0x0] =	vst v3;
	s13 =	smov.u32 s11  }
0x19b: {  	v3 =	vld [tilespmem:s12+$0x80]  }
0x19c: {  	v4 =	vld [tilespmem:s12+$0x0];
	_ =	sdelay $0x1  }
0x19d: {  	v5 =	vld [tilespmem:s12+$0x100];
	_ =	sdelay $0x1  }
0x19e: {  	v6 =	vld [tilespmem:s12+$0x180]  }
0x19f: {  	v3 =	vadd.f32 v3, v4;
	_ =	sdelay $0x1  }
0x1a0: {  	v3 =	vadd.f32 v5, v3  }
.Ltmp6:
0x1a1: {  	(pc) =	sbr.rel @p0 .LBB2_15-.Ltmp6, $4  }
0x1a2: {  	v3 =	vadd.f32 v6, v3  }
0x1a3: {  	s9 =	sadd.s32 $0x80, s9  }
0x1a4: {  	s11 =	sand.u32 $0x70, s10;
	s14 =	sadd.s32 s4, s1;
	s4 =	sand.u32 $0x1C00, s9;
	v3 =	vmul.f32 $2.500000000e-01, v3  }
0x1a5: {  	s10 =	sadd.s32 $0x10, s10;
	s13 =	sadd.s32 s13, s14;
	s12 =	sadd.s32 s4, s0  }
0x1a6: {  	s0 =	sadd.s32 s11, s12;
	[tilespmem:s13+$0x0] =	vst v3  }
0x1a7: {  	v3 =	vld [tilespmem:s0+$0x80]  }
0x1a8: {  	v4 =	vld [tilespmem:s0+$0x0];
	_ =	sdelay $0x1  }
0x1a9: {  	v5 =	vld [tilespmem:s0+$0x100];
	_ =	sdelay $0x1  }
0x1aa: {  	v6 =	vld [tilespmem:s0+$0x180]  }
0x1ab: {  	v3 =	vadd.f32 v3, v4;
	_ =	sdelay $0x1  }
0x1ac: {  	s31 =	sadd.s32 $0x1, s31;
	v3 =	vadd.f32 v5, v3  }
0x1ad: {  	p0 =	sne.s32 s31, $0x8  }
.Ltmp7:
0x1ae: {  	v3 =	vadd.f32 v6, v3;
	(pc) =	sbr.rel @p0 .LBB2_14-.Ltmp7, $4  }
0x1af: {  	_ = 	snop  }
0x1b0: {  	s14 =	sadd.s32 s4, s1;
	v3 =	vmul.f32 $2.500000000e-01, v3  }
0x1b1: {  	s0 =	sadd.s32 s11, s14  }
0x1b2: {  	[tilespmem:s0+$0x0] =	vst v3  }
0x1b3: {  	s30 =	simm.s32 $0x0;
	s0 =	rddreg [dreg:$0x8]  }
0x1b4: {  	[hbm4b:s0+s30] =	stream.linear.scatter [tilespmem:s26], [sflag:$0x3], $0x2000, $0x38;
	[tilespmem:$0x12100] =	vst v63  }
0x1b5: {  	_ =	swait.ge [sflag:s17], $0x2000  }
0x1b6: {  	[sflag:s17] =	ssyncset.done $0x0  }
0x1b7: {  	[sflag:s17] =	ssyncadd.s32 $0xFFFFE000  }
0x1b8: {  	v3 =	vld [tilespmem:$0xA0];
	_ =	sdelay $0x4  }
0x1b9: {  	v4 =	vshll.u32 v3, $0x3  }
0x1ba: {  	v3 =	vand.u32 $0x7, v3;
	v4 =	vand.u32 $0xFFFFFFC0, v4  }
0x1bb: {  	v3 =	vor.u32 v3, v4  }
0x1bc: {  	v4 =	vperm.xlane v3, v0;
	_ =	sdelay $0x1  }
0x1bd: {  	v4 =	vadd.s32 v1, v4;
	_ =	sdelay $0x3  }
0x1be: {  	s9 =	simm.s32 $0x8100  }
0x1bf: {  	[tilespmem:s9], [sflag:$0x2] =	stream.indirect_vreg.gather [hbm4b:s2+s30], $0x80, v4, vm0, $0xb8;
	[tilespmem:$0x12100] =	vst v63  }
0x1c0: {  	s10 =	simm.s32 $0x8900;
	v3 =	vperm.xlane v3, v2  }
0x1c1: {  	[tilespmem:s10], [sflag:$0x2] =	stream.indirect_vreg.gather [hbm4b:s5+s30], $0x80, v4, vm0, $0xb8;
	[tilespmem:$0x12100] =	vst v63  }
0x1c2: {  	s11 =	simm.s32 $0x9100;
	v3 =	vadd.s32 v1, v3  }
0x1c3: {  	[tilespmem:s11], [sflag:$0x2] =	stream.indirect_vreg.gather [hbm4b:s6+s30], $0x80, v4, vm0, $0xb8;
	[tilespmem:$0x12100] =	vst v63  }
0x1c4: {  	s12 =	simm.s32 $0x9900  }
0x1c5: {  	[tilespmem:s12], [sflag:$0x2] =	stream.indirect_vreg.gather [hbm4b:s7+s30], $0x80, v4, vm0, $0xb8;
	[tilespmem:$0x12100] =	vst v63  }
0x1c6: {  	s13 =	simm.s32 $0xA100  }
0x1c7: {  	[tilespmem:s13], [sflag:$0x2] =	stream.indirect_vreg.gather [hbm4b:s2+s30], $0x80, v3, vm0, $0xb8;
	[tilespmem:$0x12100] =	vst v63  }
0x1c8: {  	s14 =	simm.s32 $0xA900  }
0x1c9: {  	[tilespmem:s14], [sflag:$0x2] =	stream.indirect_vreg.gather [hbm4b:s5+s30], $0x80, v3, vm0, $0xb8;
	[tilespmem:$0x12100] =	vst v63  }
0x1ca: {  	_ = 	snop  }
0x1cb: {  	[tilespmem:s15], [sflag:$0x2] =	stream.indirect_vreg.gather [hbm4b:s6+s30], $0x80, v3, vm0, $0xb8;
	[tilespmem:$0x12100] =	vst v63  }
0x1cc: {  	_ = 	snop  }
0x1cd: {  	[tilespmem:s16], [sflag:$0x2] =	stream.indirect_vreg.gather [hbm4b:s7+s30], $0x80, v3, vm0, $0xb8;
	[tilespmem:$0x12100] =	vst v63  }
0x1ce: {  	v3 =	vld [tilespmem:$0xB0];
	_ =	sdelay $0x4  }
0x1cf: {  	v63 =	vshll.u32 v3, $0x3  }
0x1d0: {  	v3 =	vand.u32 $0x7, v3;
	v4 =	vand.u32 $0xFFFFFFC0, v63  }
0x1d1: {  	v3 =	vor.u32 v3, v4  }
0x1d2: {  	v4 =	vperm.xlane v3, v0;
	_ =	sdelay $0x1  }
0x1d3: {  	v4 =	vadd.s32 v1, v4;
	_ =	sdelay $0x4  }
0x1d4: {  	[tilespmem:s8], [sflag:$0x2] =	stream.indirect_vreg.gather [hbm4b:s2+s30], $0x80, v4, vm0, $0xb8;
	[tilespmem:$0x12100] =	vst v63  }
0x1d5: {  	v3 =	vperm.xlane v3, v2  }
0x1d6: {  	[tilespmem:s18], [sflag:$0x2] =	stream.indirect_vreg.gather [hbm4b:s5+s30], $0x80, v4, vm0, $0xb8;
	[tilespmem:$0x12100] =	vst v63  }
0x1d7: {  	v3 =	vadd.s32 v1, v3  }
0x1d8: {  	[tilespmem:s19], [sflag:$0x2] =	stream.indirect_vreg.gather [hbm4b:s6+s30], $0x80, v4, vm0, $0xb8;
	[tilespmem:$0x12100] =	vst v63  }
0x1d9: {  	_ = 	snop  }
0x1da: {  	[tilespmem:s20], [sflag:$0x2] =	stream.indirect_vreg.gather [hbm4b:s7+s30], $0x80, v4, vm0, $0xb8;
	[tilespmem:$0x12100] =	vst v63  }
0x1db: {  	_ = 	snop  }
0x1dc: {  	[tilespmem:s21], [sflag:$0x2] =	stream.indirect_vreg.gather [hbm4b:s2+s30], $0x80, v3, vm0, $0xb8;
	[tilespmem:$0x12100] =	vst v63  }
0x1dd: {  	_ = 	snop  }
0x1de: {  	[tilespmem:s22], [sflag:$0x2] =	stream.indirect_vreg.gather [hbm4b:s5+s30], $0x80, v3, vm0, $0xb8;
	[tilespmem:$0x12100] =	vst v63  }
0x1df: {  	_ = 	snop  }
0x1e0: {  	[tilespmem:s23], [sflag:$0x2] =	stream.indirect_vreg.gather [hbm4b:s6+s30], $0x80, v3, vm0, $0xb8;
	[tilespmem:$0x12100] =	vst v63  }
0x1e1: {  	_ = 	snop  }
0x1e2: {  	[tilespmem:s24], [sflag:$0x2] =	stream.indirect_vreg.gather [hbm4b:s7+s30], $0x80, v3, vm0, $0xb8;
	[tilespmem:$0x12100] =	vst v63  }
0x1e3: {  	_ =	swait.ge [sflag:s25], $0x8000  }
0x1e4: {  	[sflag:s25] =	ssyncset.done $0x0  }
0x1e5: {  	s31 =	simm.s32 $0x0;
	[sflag:s25] =	ssyncadd.s32 $0xFFFF8000  }
.LBB2_18:
0x1e6: {  	s1 =	sshll.u32 s31, $0x9;
	s0 =	sshll.u32 s31, $0xC  }
0x1e7: {  	s0 =	sand.u32 $0x6000, s0;
	s4 =	sand.u32 $0x200, s1  }
0x1e8: {  	s0 =	sor.u32 s4, s0  }
0x1e9: {  	s10 =	sand.u32 $0x1C00, s30;
	s0 =	sor.u32 $0x100, s0  }
0x1ea: {  	s13 =	sand.u32 $0x70, s30;
	s12 =	sadd.s32 s10, s0  }
0x1eb: {  	s4 =	sadd.s32 s13, s12  }
0x1ec: {  	v3 =	vld [tilespmem:s4+$0x80]  }
0x1ed: {  	v4 =	vld [tilespmem:s4+$0x0];
	_ =	sdelay $0x1  }
0x1ee: {  	v5 =	vld [tilespmem:s4+$0x100];
	_ =	sdelay $0x1  }
0x1ef: {  	v6 =	vld [tilespmem:s4+$0x180]  }
0x1f0: {  	v3 =	vadd.f32 v3, v4;
	_ =	sdelay $0x1  }
0x1f1: {  	v3 =	vadd.f32 v5, v3;
	_ =	sdelay $0x1  }
0x1f2: {  	s1 =	sshrl.u32 s1, $0x2;
	v3 =	vadd.f32 v6, v3  }
0x1f3: {  	s14 =	simm.s32 $0x10;
	s9 =	simm.s32 $0x80;
	s1 =	sadd.s32 $0x10100, s1  }
0x1f4: {  	s11 =	sand.u32 $0x70, s14;
	s14 =	sadd.s32 s10, s1;
	s4 =	sand.u32 $0x1C00, s9;
	v3 =	vmul.f32 $2.500000000e-01, v3  }
0x1f5: {  	s10 =	simm.s32 $0x20;
	s13 =	sadd.s32 s13, s14;
	s12 =	sadd.s32 s4, s0  }
.LBB2_19:
0x1f6: {  	p0 =	sne.s32 s10, $0x3F0;
	s12 =	sadd.s32 s11, s12;
	[tilespmem:s13+$0x0] =	vst v3;
	s13 =	smov.u32 s11  }
0x1f7: {  	v3 =	vld [tilespmem:s12+$0x80]  }
0x1f8: {  	v4 =	vld [tilespmem:s12+$0x0];
	_ =	sdelay $0x1  }
0x1f9: {  	v5 =	vld [tilespmem:s12+$0x100];
	_ =	sdelay $0x1  }
0x1fa: {  	v6 =	vld [tilespmem:s12+$0x180]  }
0x1fb: {  	v3 =	vadd.f32 v3, v4;
	_ =	sdelay $0x1  }
0x1fc: {  	v3 =	vadd.f32 v5, v3  }
.Ltmp8:
0x1fd: {  	(pc) =	sbr.rel @p0 .LBB2_19-.Ltmp8, $4  }
0x1fe: {  	v3 =	vadd.f32 v6, v3  }
0x1ff: {  	s9 =	sadd.s32 $0x80, s9  }
0x200: {  	s11 =	sand.u32 $0x70, s10;
	s14 =	sadd.s32 s4, s1;
	s4 =	sand.u32 $0x1C00, s9;
	v3 =	vmul.f32 $2.500000000e-01, v3  }
0x201: {  	s10 =	sadd.s32 $0x10, s10;
	s13 =	sadd.s32 s13, s14;
	s12 =	sadd.s32 s4, s0  }
0x202: {  	s0 =	sadd.s32 s11, s12;
	[tilespmem:s13+$0x0] =	vst v3  }
0x203: {  	v3 =	vld [tilespmem:s0+$0x80]  }
0x204: {  	v4 =	vld [tilespmem:s0+$0x0];
	_ =	sdelay $0x1  }
0x205: {  	v5 =	vld [tilespmem:s0+$0x100];
	_ =	sdelay $0x1  }
0x206: {  	v6 =	vld [tilespmem:s0+$0x180]  }
0x207: {  	v3 =	vadd.f32 v3, v4;
	_ =	sdelay $0x1  }
0x208: {  	s31 =	sadd.s32 $0x1, s31;
	v3 =	vadd.f32 v5, v3  }
0x209: {  	p0 =	sne.s32 s31, $0x8  }
.Ltmp9:
0x20a: {  	v3 =	vadd.f32 v6, v3;
	(pc) =	sbr.rel @p0 .LBB2_18-.Ltmp9, $4  }
0x20b: {  	_ = 	snop  }
0x20c: {  	s14 =	sadd.s32 s4, s1;
	v3 =	vmul.f32 $2.500000000e-01, v3  }
0x20d: {  	s0 =	sadd.s32 s11, s14  }
0x20e: {  	[tilespmem:s0+$0x0] =	vst v3  }
0x20f: {  	s30 =	simm.s32 $0x0;
	s0 =	rddreg [dreg:$0x9]  }
0x210: {  	[hbm4b:s0+s30] =	stream.linear.scatter [tilespmem:s26], [sflag:$0x3], $0x2000, $0x38;
	[tilespmem:$0x12100] =	vst v63  }
0x211: {  	_ =	swait.ge [sflag:s17], $0x2000  }
0x212: {  	[sflag:s17] =	ssyncset.done $0x0  }
0x213: {  	[sflag:s17] =	ssyncadd.s32 $0xFFFFE000  }
0x214: {  	v3 =	vld [tilespmem:$0xC0];
	_ =	sdelay $0x4  }
0x215: {  	v4 =	vshll.u32 v3, $0x3  }
0x216: {  	v3 =	vand.u32 $0x7, v3;
	v4 =	vand.u32 $0xFFFFFFC0, v4  }
0x217: {  	v3 =	vor.u32 v3, v4  }
0x218: {  	v4 =	vperm.xlane v3, v0;
	_ =	sdelay $0x1  }
0x219: {  	v4 =	vadd.s32 v1, v4;
	_ =	sdelay $0x3  }
0x21a: {  	s1 =	simm.s32 $0x100  }
0x21b: {  	[tilespmem:s1], [sflag:$0x1] =	stream.indirect_vreg.gather [hbm4b:s2+s30], $0x80, v4, vm0, $0xb8;
	[tilespmem:$0x12100] =	vst v63  }
0x21c: {  	s4 =	simm.s32 $0x900;
	v3 =	vperm.xlane v3, v2  }
0x21d: {  	[tilespmem:s4], [sflag:$0x1] =	stream.indirect_vreg.gather [hbm4b:s5+s30], $0x80, v4, vm0, $0xb8;
	[tilespmem:$0x12100] =	vst v63  }
0x21e: {  	s9 =	simm.s32 $0x1100;
	v3 =	vadd.s32 v1, v3  }
0x21f: {  	[tilespmem:s9], [sflag:$0x1] =	stream.indirect_vreg.gather [hbm4b:s6+s30], $0x80, v4, vm0, $0xb8;
	[tilespmem:$0x12100] =	vst v63  }
0x220: {  	s10 =	simm.s32 $0x1900  }
0x221: {  	[tilespmem:s10], [sflag:$0x1] =	stream.indirect_vreg.gather [hbm4b:s7+s30], $0x80, v4, vm0, $0xb8;
	[tilespmem:$0x12100] =	vst v63  }
0x222: {  	s11 =	simm.s32 $0x2100  }
0x223: {  	[tilespmem:s11], [sflag:$0x1] =	stream.indirect_vreg.gather [hbm4b:s2+s30], $0x80, v3, vm0, $0xb8;
	[tilespmem:$0x12100] =	vst v63  }
0x224: {  	s12 =	simm.s32 $0x2900  }
0x225: {  	[tilespmem:s12], [sflag:$0x1] =	stream.indirect_vreg.gather [hbm4b:s5+s30], $0x80, v3, vm0, $0xb8;
	[tilespmem:$0x12100] =	vst v63  }
0x226: {  	s13 =	simm.s32 $0x3100  }
0x227: {  	[tilespmem:s13], [sflag:$0x1] =	stream.indirect_vreg.gather [hbm4b:s6+s30], $0x80, v3, vm0, $0xb8;
	[tilespmem:$0x12100] =	vst v63  }
0x228: {  	s14 =	simm.s32 $0x3900  }
0x229: {  	[tilespmem:s14], [sflag:$0x1] =	stream.indirect_vreg.gather [hbm4b:s7+s30], $0x80, v3, vm0, $0xb8;
	[tilespmem:$0x12100] =	vst v63  }
0x22a: {  	v3 =	vld [tilespmem:$0xD0];
	_ =	sdelay $0x4  }
0x22b: {  	v63 =	vshll.u32 v3, $0x3  }
0x22c: {  	v3 =	vand.u32 $0x7, v3;
	v4 =	vand.u32 $0xFFFFFFC0, v63  }
0x22d: {  	v3 =	vor.u32 v3, v4  }
0x22e: {  	v4 =	vperm.xlane v3, v0;
	_ =	sdelay $0x1  }
0x22f: {  	v4 =	vadd.s32 v1, v4;
	_ =	sdelay $0x3  }
0x230: {  	s1 =	simm.s32 $0x4100  }
0x231: {  	[tilespmem:s1], [sflag:$0x1] =	stream.indirect_vreg.gather [hbm4b:s2+s30], $0x80, v4, vm0, $0xb8;
	[tilespmem:$0x12100] =	vst v63  }
0x232: {  	s4 =	simm.s32 $0x4900;
	v3 =	vperm.xlane v3, v2  }
0x233: {  	[tilespmem:s4], [sflag:$0x1] =	stream.indirect_vreg.gather [hbm4b:s5+s30], $0x80, v4, vm0, $0xb8;
	[tilespmem:$0x12100] =	vst v63  }
0x234: {  	s9 =	simm.s32 $0x5100;
	v3 =	vadd.s32 v1, v3  }
0x235: {  	[tilespmem:s9], [sflag:$0x1] =	stream.indirect_vreg.gather [hbm4b:s6+s30], $0x80, v4, vm0, $0xb8;
	[tilespmem:$0x12100] =	vst v63  }
0x236: {  	s10 =	simm.s32 $0x5900  }
0x237: {  	[tilespmem:s10], [sflag:$0x1] =	stream.indirect_vreg.gather [hbm4b:s7+s30], $0x80, v4, vm0, $0xb8;
	[tilespmem:$0x12100] =	vst v63  }
0x238: {  	s11 =	simm.s32 $0x6100  }
0x239: {  	[tilespmem:s11], [sflag:$0x1] =	stream.indirect_vreg.gather [hbm4b:s2+s30], $0x80, v3, vm0, $0xb8;
	[tilespmem:$0x12100] =	vst v63  }
0x23a: {  	s12 =	simm.s32 $0x6900  }
0x23b: {  	[tilespmem:s12], [sflag:$0x1] =	stream.indirect_vreg.gather [hbm4b:s5+s30], $0x80, v3, vm0, $0xb8;
	[tilespmem:$0x12100] =	vst v63  }
0x23c: {  	s13 =	simm.s32 $0x7100  }
0x23d: {  	[tilespmem:s13], [sflag:$0x1] =	stream.indirect_vreg.gather [hbm4b:s6+s30], $0x80, v3, vm0, $0xb8;
	[tilespmem:$0x12100] =	vst v63  }
0x23e: {  	s14 =	simm.s32 $0x7900  }
0x23f: {  	[tilespmem:s14], [sflag:$0x1] =	stream.indirect_vreg.gather [hbm4b:s7+s30], $0x80, v3, vm0, $0xb8;
	[tilespmem:$0x12100] =	vst v63  }
0x240: {  	_ =	swait.ge [sflag:s28], $0x8000  }
0x241: {  	[sflag:s28] =	ssyncset.done $0x0  }
0x242: {  	s31 =	simm.s32 $0x0;
	[sflag:s28] =	ssyncadd.s32 $0xFFFF8000  }
.LBB2_22:
0x243: {  	s1 =	sshll.u32 s31, $0x9;
	s0 =	sshll.u32 s31, $0xC  }
0x244: {  	s0 =	sand.u32 $0x6000, s0;
	s4 =	sand.u32 $0x200, s1  }
0x245: {  	s0 =	sor.u32 s4, s0  }
0x246: {  	s10 =	sand.u32 $0x1C00, s30;
	s0 =	sor.u32 $0x8100, s0  }
0x247: {  	s13 =	sand.u32 $0x70, s30;
	s12 =	sadd.s32 s10, s0  }
0x248: {  	s4 =	sadd.s32 s13, s12  }
0x249: {  	v3 =	vld [tilespmem:s4+$0x80]  }
0x24a: {  	v4 =	vld [tilespmem:s4+$0x0];
	_ =	sdelay $0x1  }
0x24b: {  	v5 =	vld [tilespmem:s4+$0x100];
	_ =	sdelay $0x1  }
0x24c: {  	v6 =	vld [tilespmem:s4+$0x180]  }
0x24d: {  	v3 =	vadd.f32 v3, v4;
	_ =	sdelay $0x1  }
0x24e: {  	v3 =	vadd.f32 v5, v3;
	_ =	sdelay $0x1  }
0x24f: {  	s1 =	sshrl.u32 s1, $0x2;
	v3 =	vadd.f32 v6, v3  }
0x250: {  	s14 =	simm.s32 $0x10;
	s9 =	simm.s32 $0x80;
	s1 =	sadd.s32 $0x10100, s1  }
0x251: {  	s11 =	sand.u32 $0x70, s14;
	s14 =	sadd.s32 s10, s1;
	s4 =	sand.u32 $0x1C00, s9;
	v3 =	vmul.f32 $2.500000000e-01, v3  }
0x252: {  	s10 =	simm.s32 $0x20;
	s13 =	sadd.s32 s13, s14;
	s12 =	sadd.s32 s4, s0  }
.LBB2_23:
0x253: {  	p0 =	sne.s32 s10, $0x3F0;
	s12 =	sadd.s32 s11, s12;
	[tilespmem:s13+$0x0] =	vst v3;
	s13 =	smov.u32 s11  }
0x254: {  	v3 =	vld [tilespmem:s12+$0x80]  }
0x255: {  	v4 =	vld [tilespmem:s12+$0x0];
	_ =	sdelay $0x1  }
0x256: {  	v5 =	vld [tilespmem:s12+$0x100];
	_ =	sdelay $0x1  }
0x257: {  	v6 =	vld [tilespmem:s12+$0x180]  }
0x258: {  	v3 =	vadd.f32 v3, v4;
	_ =	sdelay $0x1  }
0x259: {  	v3 =	vadd.f32 v5, v3  }
.Ltmp10:
0x25a: {  	(pc) =	sbr.rel @p0 .LBB2_23-.Ltmp10, $4  }
0x25b: {  	v3 =	vadd.f32 v6, v3  }
0x25c: {  	s9 =	sadd.s32 $0x80, s9  }
0x25d: {  	s11 =	sand.u32 $0x70, s10;
	s14 =	sadd.s32 s4, s1;
	s4 =	sand.u32 $0x1C00, s9;
	v3 =	vmul.f32 $2.500000000e-01, v3  }
0x25e: {  	s10 =	sadd.s32 $0x10, s10;
	s13 =	sadd.s32 s13, s14;
	s12 =	sadd.s32 s4, s0  }
0x25f: {  	s0 =	sadd.s32 s11, s12;
	[tilespmem:s13+$0x0] =	vst v3  }
0x260: {  	v3 =	vld [tilespmem:s0+$0x80]  }
0x261: {  	v4 =	vld [tilespmem:s0+$0x0];
	_ =	sdelay $0x1  }
0x262: {  	v5 =	vld [tilespmem:s0+$0x100];
	_ =	sdelay $0x1  }
0x263: {  	v6 =	vld [tilespmem:s0+$0x180]  }
0x264: {  	v3 =	vadd.f32 v3, v4;
	_ =	sdelay $0x1  }
0x265: {  	s31 =	sadd.s32 $0x1, s31;
	v3 =	vadd.f32 v5, v3  }
0x266: {  	p0 =	sne.s32 s31, $0x8  }
.Ltmp11:
0x267: {  	v3 =	vadd.f32 v6, v3;
	(pc) =	sbr.rel @p0 .LBB2_22-.Ltmp11, $4  }
0x268: {  	_ = 	snop  }
0x269: {  	s14 =	sadd.s32 s4, s1;
	v3 =	vmul.f32 $2.500000000e-01, v3  }
0x26a: {  	s0 =	sadd.s32 s11, s14  }
0x26b: {  	[tilespmem:s0+$0x0] =	vst v3  }
0x26c: {  	s30 =	simm.s32 $0x0;
	s0 =	rddreg [dreg:$0xa]  }
0x26d: {  	[hbm4b:s0+s30] =	stream.linear.scatter [tilespmem:s26], [sflag:$0x3], $0x2000, $0x38;
	[tilespmem:$0x12100] =	vst v63  }
0x26e: {  	_ =	swait.ge [sflag:s17], $0x2000  }
0x26f: {  	[sflag:s17] =	ssyncset.done $0x0  }
0x270: {  	[sflag:s17] =	ssyncadd.s32 $0xFFFFE000  }
0x271: {  	v3 =	vld [tilespmem:$0xE0];
	_ =	sdelay $0x4  }
0x272: {  	v4 =	vshll.u32 v3, $0x3  }
0x273: {  	v3 =	vand.u32 $0x7, v3;
	v4 =	vand.u32 $0xFFFFFFC0, v4  }
0x274: {  	v3 =	vor.u32 v3, v4  }
0x275: {  	v4 =	vperm.xlane v3, v0;
	_ =	sdelay $0x1  }
0x276: {  	v4 =	vadd.s32 v1, v4;
	_ =	sdelay $0x3  }
0x277: {  	s9 =	simm.s32 $0x8100  }
0x278: {  	[tilespmem:s9], [sflag:$0x2] =	stream.indirect_vreg.gather [hbm4b:s2+s30], $0x80, v4, vm0, $0xb8;
	[tilespmem:$0x12100] =	vst v63  }
0x279: {  	s10 =	simm.s32 $0x8900;
	v3 =	vperm.xlane v3, v2  }
0x27a: {  	[tilespmem:s10], [sflag:$0x2] =	stream.indirect_vreg.gather [hbm4b:s5+s30], $0x80, v4, vm0, $0xb8;
	[tilespmem:$0x12100] =	vst v63  }
0x27b: {  	s11 =	simm.s32 $0x9100;
	v3 =	vadd.s32 v1, v3  }
0x27c: {  	[tilespmem:s11], [sflag:$0x2] =	stream.indirect_vreg.gather [hbm4b:s6+s30], $0x80, v4, vm0, $0xb8;
	[tilespmem:$0x12100] =	vst v63  }
0x27d: {  	s12 =	simm.s32 $0x9900  }
0x27e: {  	[tilespmem:s12], [sflag:$0x2] =	stream.indirect_vreg.gather [hbm4b:s7+s30], $0x80, v4, vm0, $0xb8;
	[tilespmem:$0x12100] =	vst v63  }
0x27f: {  	s13 =	simm.s32 $0xA100  }
0x280: {  	[tilespmem:s13], [sflag:$0x2] =	stream.indirect_vreg.gather [hbm4b:s2+s30], $0x80, v3, vm0, $0xb8;
	[tilespmem:$0x12100] =	vst v63  }
0x281: {  	s14 =	simm.s32 $0xA900  }
0x282: {  	[tilespmem:s14], [sflag:$0x2] =	stream.indirect_vreg.gather [hbm4b:s5+s30], $0x80, v3, vm0, $0xb8;
	[tilespmem:$0x12100] =	vst v63  }
0x283: {  	_ = 	snop  }
0x284: {  	[tilespmem:s15], [sflag:$0x2] =	stream.indirect_vreg.gather [hbm4b:s6+s30], $0x80, v3, vm0, $0xb8;
	[tilespmem:$0x12100] =	vst v63  }
0x285: {  	_ = 	snop  }
0x286: {  	[tilespmem:s16], [sflag:$0x2] =	stream.indirect_vreg.gather [hbm4b:s7+s30], $0x80, v3, vm0, $0xb8;
	[tilespmem:$0x12100] =	vst v63  }
0x287: {  	v3 =	vld [tilespmem:$0xF0];
	_ =	sdelay $0x4  }
0x288: {  	v63 =	vshll.u32 v3, $0x3  }
0x289: {  	v3 =	vand.u32 $0x7, v3;
	v4 =	vand.u32 $0xFFFFFFC0, v63  }
0x28a: {  	v3 =	vor.u32 v3, v4  }
0x28b: {  	v4 =	vperm.xlane v3, v0;
	_ =	sdelay $0x1  }
0x28c: {  	v4 =	vadd.s32 v1, v4;
	_ =	sdelay $0x4  }
0x28d: {  	[tilespmem:s8], [sflag:$0x2] =	stream.indirect_vreg.gather [hbm4b:s2+s30], $0x80, v4, vm0, $0xb8;
	[tilespmem:$0x12100] =	vst v63  }
0x28e: {  	v3 =	vperm.xlane v3, v2  }
0x28f: {  	[tilespmem:s18], [sflag:$0x2] =	stream.indirect_vreg.gather [hbm4b:s5+s30], $0x80, v4, vm0, $0xb8;
	[tilespmem:$0x12100] =	vst v63  }
0x290: {  	v3 =	vadd.s32 v1, v3  }
0x291: {  	[tilespmem:s19], [sflag:$0x2] =	stream.indirect_vreg.gather [hbm4b:s6+s30], $0x80, v4, vm0, $0xb8;
	[tilespmem:$0x12100] =	vst v63  }
0x292: {  	_ = 	snop  }
0x293: {  	[tilespmem:s20], [sflag:$0x2] =	stream.indirect_vreg.gather [hbm4b:s7+s30], $0x80, v4, vm0, $0xb8;
	[tilespmem:$0x12100] =	vst v63  }
0x294: {  	_ = 	snop  }
0x295: {  	[tilespmem:s21], [sflag:$0x2] =	stream.indirect_vreg.gather [hbm4b:s2+s30], $0x80, v3, vm0, $0xb8;
	[tilespmem:$0x12100] =	vst v63  }
0x296: {  	_ = 	snop  }
0x297: {  	[tilespmem:s22], [sflag:$0x2] =	stream.indirect_vreg.gather [hbm4b:s5+s30], $0x80, v3, vm0, $0xb8;
	[tilespmem:$0x12100] =	vst v63  }
0x298: {  	_ = 	snop  }
0x299: {  	[tilespmem:s23], [sflag:$0x2] =	stream.indirect_vreg.gather [hbm4b:s6+s30], $0x80, v3, vm0, $0xb8;
	[tilespmem:$0x12100] =	vst v63  }
0x29a: {  	_ = 	snop  }
0x29b: {  	[tilespmem:s24], [sflag:$0x2] =	stream.indirect_vreg.gather [hbm4b:s7+s30], $0x80, v3, vm0, $0xb8;
	[tilespmem:$0x12100] =	vst v63  }
0x29c: {  	_ =	swait.ge [sflag:s25], $0x8000  }
0x29d: {  	[sflag:s25] =	ssyncset.done $0x0  }
0x29e: {  	s31 =	simm.s32 $0x0;
	[sflag:s25] =	ssyncadd.s32 $0xFFFF8000  }
.LBB2_26:
0x29f: {  	s1 =	sshll.u32 s31, $0x9;
	s0 =	sshll.u32 s31, $0xC  }
0x2a0: {  	s0 =	sand.u32 $0x6000, s0;
	s4 =	sand.u32 $0x200, s1  }
0x2a1: {  	s0 =	sor.u32 s4, s0  }
0x2a2: {  	s10 =	sand.u32 $0x1C00, s30;
	s0 =	sor.u32 $0x100, s0  }
0x2a3: {  	s13 =	sand.u32 $0x70, s30;
	s12 =	sadd.s32 s10, s0  }
0x2a4: {  	s4 =	sadd.s32 s13, s12  }
0x2a5: {  	v3 =	vld [tilespmem:s4+$0x80]  }
0x2a6: {  	v4 =	vld [tilespmem:s4+$0x0];
	_ =	sdelay $0x1  }
0x2a7: {  	v5 =	vld [tilespmem:s4+$0x100];
	_ =	sdelay $0x1  }
0x2a8: {  	v6 =	vld [tilespmem:s4+$0x180]  }
0x2a9: {  	v3 =	vadd.f32 v3, v4;
	_ =	sdelay $0x1  }
0x2aa: {  	v3 =	vadd.f32 v5, v3;
	_ =	sdelay $0x1  }
0x2ab: {  	s1 =	sshrl.u32 s1, $0x2;
	v3 =	vadd.f32 v6, v3  }
0x2ac: {  	s14 =	simm.s32 $0x10;
	s9 =	simm.s32 $0x80;
	s1 =	sadd.s32 $0x10100, s1  }
0x2ad: {  	s11 =	sand.u32 $0x70, s14;
	s14 =	sadd.s32 s10, s1;
	s4 =	sand.u32 $0x1C00, s9;
	v3 =	vmul.f32 $2.500000000e-01, v3  }
0x2ae: {  	s10 =	simm.s32 $0x20;
	s13 =	sadd.s32 s13, s14;
	s12 =	sadd.s32 s4, s0  }
.LBB2_27:
0x2af: {  	p0 =	sne.s32 s10, $0x3F0;
	s12 =	sadd.s32 s11, s12;
	[tilespmem:s13+$0x0] =	vst v3;
	s13 =	smov.u32 s11  }
0x2b0: {  	v3 =	vld [tilespmem:s12+$0x80]  }
0x2b1: {  	v4 =	vld [tilespmem:s12+$0x0];
	_ =	sdelay $0x1  }
0x2b2: {  	v5 =	vld [tilespmem:s12+$0x100];
	_ =	sdelay $0x1  }
0x2b3: {  	v6 =	vld [tilespmem:s12+$0x180]  }
0x2b4: {  	v3 =	vadd.f32 v3, v4;
	_ =	sdelay $0x1  }
0x2b5: {  	v3 =	vadd.f32 v5, v3  }
.Ltmp12:
0x2b6: {  	(pc) =	sbr.rel @p0 .LBB2_27-.Ltmp12, $4  }
0x2b7: {  	v3 =	vadd.f32 v6, v3  }
0x2b8: {  	s9 =	sadd.s32 $0x80, s9  }
0x2b9: {  	s11 =	sand.u32 $0x70, s10;
	s14 =	sadd.s32 s4, s1;
	s4 =	sand.u32 $0x1C00, s9;
	v3 =	vmul.f32 $2.500000000e-01, v3  }
0x2ba: {  	s10 =	sadd.s32 $0x10, s10;
	s13 =	sadd.s32 s13, s14;
	s12 =	sadd.s32 s4, s0  }
0x2bb: {  	s0 =	sadd.s32 s11, s12;
	[tilespmem:s13+$0x0] =	vst v3  }
0x2bc: {  	v3 =	vld [tilespmem:s0+$0x80]  }
0x2bd: {  	v4 =	vld [tilespmem:s0+$0x0];
	_ =	sdelay $0x1  }
0x2be: {  	v5 =	vld [tilespmem:s0+$0x100];
	_ =	sdelay $0x1  }
0x2bf: {  	v6 =	vld [tilespmem:s0+$0x180]  }
0x2c0: {  	v3 =	vadd.f32 v3, v4;
	_ =	sdelay $0x1  }
0x2c1: {  	s31 =	sadd.s32 $0x1, s31;
	v3 =	vadd.f32 v5, v3  }
0x2c2: {  	p0 =	sne.s32 s31, $0x8  }
.Ltmp13:
0x2c3: {  	v3 =	vadd.f32 v6, v3;
	(pc) =	sbr.rel @p0 .LBB2_26-.Ltmp13, $4  }
0x2c4: {  	_ = 	snop  }
0x2c5: {  	s14 =	sadd.s32 s4, s1;
	v3 =	vmul.f32 $2.500000000e-01, v3  }
0x2c6: {  	s0 =	sadd.s32 s11, s14  }
0x2c7: {  	[tilespmem:s0+$0x0] =	vst v3  }
0x2c8: {  	s30 =	simm.s32 $0x0;
	s0 =	rddreg [dreg:$0xb]  }
0x2c9: {  	[hbm4b:s0+s30] =	stream.linear.scatter [tilespmem:s26], [sflag:$0x3], $0x2000, $0x38;
	[tilespmem:$0x12100] =	vst v63  }
0x2ca: {  	_ =	swait.ge [sflag:s17], $0x2000  }
0x2cb: {  	[sflag:s17] =	ssyncset.done $0x0  }
0x2cc: {  	[sflag:s17] =	ssyncadd.s32 $0xFFFFE000  }
0x2cd: {  	_ =	swait.ge [sflag:s28], $0x8000  }
0x2ce: {  	[sflag:s28] =	ssyncset.done $0x0  }
0x2cf: {  	s31 =	simm.s32 $0x0;
	[sflag:s28] =	ssyncadd.s32 $0xFFFF8000  }
.LBB2_30:
0x2d0: {  	s1 =	sshll.u32 s31, $0x9;
	s0 =	sshll.u32 s31, $0xC  }
0x2d1: {  	s0 =	sand.u32 $0x6000, s0;
	s4 =	sand.u32 $0x200, s1  }
0x2d2: {  	s0 =	sor.u32 s4, s0  }
0x2d3: {  	s10 =	sand.u32 $0x1C00, s30;
	s0 =	sor.u32 $0x8100, s0  }
0x2d4: {  	s13 =	sand.u32 $0x70, s30;
	s12 =	sadd.s32 s10, s0  }
0x2d5: {  	s4 =	sadd.s32 s13, s12  }
0x2d6: {  	v3 =	vld [tilespmem:s4+$0x80]  }
0x2d7: {  	v4 =	vld [tilespmem:s4+$0x0];
	_ =	sdelay $0x1  }
0x2d8: {  	v5 =	vld [tilespmem:s4+$0x100];
	_ =	sdelay $0x1  }
0x2d9: {  	v6 =	vld [tilespmem:s4+$0x180]  }
0x2da: {  	v3 =	vadd.f32 v3, v4;
	_ =	sdelay $0x1  }
0x2db: {  	v3 =	vadd.f32 v5, v3;
	_ =	sdelay $0x1  }
0x2dc: {  	s1 =	sshrl.u32 s1, $0x2;
	v3 =	vadd.f32 v6, v3  }
0x2dd: {  	s14 =	simm.s32 $0x10;
	s9 =	simm.s32 $0x80;
	s1 =	sadd.s32 $0x10100, s1  }
0x2de: {  	s11 =	sand.u32 $0x70, s14;
	s14 =	sadd.s32 s10, s1;
	s4 =	sand.u32 $0x1C00, s9;
	v3 =	vmul.f32 $2.500000000e-01, v3  }
0x2df: {  	s10 =	simm.s32 $0x20;
	s13 =	sadd.s32 s13, s14;
	s12 =	sadd.s32 s4, s0  }
.LBB2_31:
0x2e0: {  	p0 =	sne.s32 s10, $0x3F0;
	s12 =	sadd.s32 s11, s12;
	[tilespmem:s13+$0x0] =	vst v3;
	s13 =	smov.u32 s11  }
0x2e1: {  	v3 =	vld [tilespmem:s12+$0x80]  }
0x2e2: {  	v4 =	vld [tilespmem:s12+$0x0];
	_ =	sdelay $0x1  }
0x2e3: {  	v5 =	vld [tilespmem:s12+$0x100];
	_ =	sdelay $0x1  }
0x2e4: {  	v6 =	vld [tilespmem:s12+$0x180]  }
0x2e5: {  	v3 =	vadd.f32 v3, v4;
	_ =	sdelay $0x1  }
0x2e6: {  	v3 =	vadd.f32 v5, v3  }
.Ltmp14:
0x2e7: {  	(pc) =	sbr.rel @p0 .LBB2_31-.Ltmp14, $4  }
0x2e8: {  	v3 =	vadd.f32 v6, v3  }
0x2e9: {  	s9 =	sadd.s32 $0x80, s9  }
0x2ea: {  	s11 =	sand.u32 $0x70, s10;
	s14 =	sadd.s32 s4, s1;
	s4 =	sand.u32 $0x1C00, s9;
	v3 =	vmul.f32 $2.500000000e-01, v3  }
0x2eb: {  	s10 =	sadd.s32 $0x10, s10;
	s13 =	sadd.s32 s13, s14;
	s12 =	sadd.s32 s4, s0  }
0x2ec: {  	s0 =	sadd.s32 s11, s12;
	[tilespmem:s13+$0x0] =	vst v3  }
0x2ed: {  	v3 =	vld [tilespmem:s0+$0x80]  }
0x2ee: {  	v4 =	vld [tilespmem:s0+$0x0];
	_ =	sdelay $0x1  }
0x2ef: {  	v5 =	vld [tilespmem:s0+$0x100];
	_ =	sdelay $0x1  }
0x2f0: {  	v6 =	vld [tilespmem:s0+$0x180]  }
0x2f1: {  	v3 =	vadd.f32 v3, v4;
	_ =	sdelay $0x1  }
0x2f2: {  	s31 =	sadd.s32 $0x1, s31;
	v3 =	vadd.f32 v5, v3  }
0x2f3: {  	p0 =	sne.s32 s31, $0x8  }
.Ltmp15:
0x2f4: {  	v3 =	vadd.f32 v6, v3;
	(pc) =	sbr.rel @p0 .LBB2_30-.Ltmp15, $4  }
0x2f5: {  	_ = 	snop  }
0x2f6: {  	s14 =	sadd.s32 s4, s1;
	v3 =	vmul.f32 $2.500000000e-01, v3  }
0x2f7: {  	s0 =	sadd.s32 s11, s14  }
0x2f8: {  	[tilespmem:s0+$0x0] =	vst v3  }
0x2f9: {  	s0 =	rddreg [dreg:$0xc]  }
0x2fa: {  	[hbm4b:s0+s3] =	stream.linear.scatter [tilespmem:s26], [sflag:$0x3], $0x2000, $0x38;
	[tilespmem:$0x12100] =	vst v63  }
0x2fb: {  	_ =	swait.ge [sflag:s17], $0x2000  }
0x2fc: {  	s29 =	sadd.s32 $0x1, s29;
	s31 =	rddreg [dreg:$0xd]  }
0x2fd: {  	p0 =	sne.s32 s29, s31  }
.Ltmp16:
0x2fe: {  	_ = 	snop;
	(pc) =	sbr.rel @p0 .LBB2_1-.Ltmp16, $3  }
0x2ff: {  	_ =	sdelay $0x1  }
0x300: {  	[sflag:s17] =	ssyncset.done $0x0  }
0x301: {  	[sflag:s17] =	ssyncadd.s32 $0xFFFFE000  }
0x302: {  	_ =	sfence.sel $0x180000  }
0x303: {  	[bflag:$0x0] =	sbarrier.arrive $0xFFFF  }
0x304: {  	_ =	strace $0x90000047  }
0x305: {  	s0 =	stileid.u32;
	[bflag:$0x2] =	sbarrier.arrive $0xFFFF  }
0x306: {  	p0 =	sne.s32 s0, $0x0;
	s0 =	rddreg [dreg:$0x3]  }
0x307: {  	s0 =	sadd.s32 @!p0 $0x100000, s0  }
0x308: {  	[sflag:s0] =	ssyncadd.tile.s32 @!p0 $0x1;
	_ =	shalt  }
.Lfunc_end2:
_tile_overlayer_lowered:
.L_overlay_start_2:
0x309: {  	(tag) =	ssettag $0x2  }
0x30a: {  	s0 =	rddreg [dreg:$0x0];
	s2 =	stileid.u32  }
0x30b: {  	s1 =	rddreg [dreg:$0x1];
	p0 =	sne.s32 s2, $0x0  }
0x30c: {  	s3 =	rddreg [dreg:$0x2];
	[bflag:$0x3] =	sbarrier.arrive $0xFFFF;
	s2 =	simm.s32 @!p0 $0x1C03  }
0x30d: {  	[timem:s3], [sflag:s2] =	dma.local @!p0 [hbm:s0], s1  }
0x30e: {  	s0 =	simm.s32 @!p0 $0x3  }
0x30f: {  	_ =	swait.ge @!p0 [sflag:s0], s1  }
0x310: {  	s1 =	ssub.s32 @!p0 $0x0, s1;
	[sflag:s0] =	ssyncset.done @!p0 $0x0  }
0x311: {  	[sflag:s0] =	ssyncadd.s32 @!p0 s1  }
0x312: {  	[bflag:$0x3] =	sbarrier.arrive $0xFFFF  }
0x313: {  	_ =	shalt  }

</sc_bundles>
